<compile_context>
chip_gen: v7x
topology: tpu7x:2x2x1
jax: 0.10.2.dev20260603
libtpu: 0.0.44.dev20260713+nightly
codegen_flags: <defaults>
</compile_context>

<pallas_src>
import jax
import jax.numpy as jnp
from jax import lax
from jax.experimental import pallas as pl
from jax.experimental.pallas import tpu as pltpu
from jax.experimental.pallas import tpu_sc as plsc

N = 10000
E = 160000
D = 256
HALF = 128
NC = 2
NS = 16
CW = 128
EDGES_PER_TILE = E // NS
NCH = 80
DEG_PER_WORKER = E // (NC * NS)
DNCH = 40
NROWS = N + 8
SPAN = 624
TAIL = N - SPAN * NS
BLK = 1000
NB = N // BLK



def _mm_body(x_ref, w_ref, b_ref, out_ref):
    acc = jnp.dot(x_ref[...], w_ref[...], preferred_element_type=jnp.float32)
    out_ref[...] = acc + b_ref[0]


def _support1(x, W1, b1_2h):
    return pl.pallas_call(
        _mm_body,
        grid=(NC, NB),
        in_specs=[
            pl.BlockSpec((BLK, D), lambda i, j: (j, 0)),
            pl.BlockSpec((D, HALF), lambda i, j: (0, i)),
            pl.BlockSpec((1, 1, HALF), lambda i, j: (i, 0, 0)),
        ],
        out_specs=pl.BlockSpec((BLK, HALF), lambda i, j: (i * NB + j, 0)),
        out_shape=jax.ShapeDtypeStruct((NC * N, HALF), jnp.float32),
    )(x, W1, b1_2h)


def _norm_mm_body(a0_ref, a1_ref, d0_ref, d1_ref, w_ref, b_ref, out_ref):
    d0 = d0_ref[:, 0:1]
    d1 = d1_ref[:, 0:1]
    deg = d0 + d1
    inv = 1.0 / jnp.maximum(deg, 1.0)
    h0 = jnp.maximum((a0_ref[...] - d0) * inv, 0.0)
    h1 = jnp.maximum((a1_ref[...] - d1) * inv, 0.0)
    acc = jnp.dot(h0, w_ref[0:HALF, :], preferred_element_type=jnp.float32)
    acc += jnp.dot(h1, w_ref[HALF:D, :], preferred_element_type=jnp.float32)
    out_ref[...] = acc + b_ref[0]


def _support2(agg1, deg, W2, b2_2h):
    return pl.pallas_call(
        _norm_mm_body,
        grid=(NC, NB),
        in_specs=[
            pl.BlockSpec((BLK, HALF), lambda i, j: (j, 0)),
            pl.BlockSpec((BLK, HALF), lambda i, j: (NB + j, 0)),
            pl.BlockSpec((BLK, HALF), lambda i, j: (j, 0)),
            pl.BlockSpec((BLK, HALF), lambda i, j: (NB + j, 0)),
            pl.BlockSpec((D, HALF), lambda i, j: (0, i)),
            pl.BlockSpec((1, 1, HALF), lambda i, j: (i, 0, 0)),
        ],
        out_specs=pl.BlockSpec((BLK, HALF), lambda i, j: (i * NB + j, 0)),
        out_shape=jax.ShapeDtypeStruct((NC * N, HALF), jnp.float32),
    )(agg1, agg1, deg, deg, W2, b2_2h)


def _final_body(a0_ref, a1_ref, d0_ref, d1_ref, out_ref):
    deg = d0_ref[:, 0:1] + d1_ref[:, 0:1]
    inv = 1.0 / jnp.maximum(deg, 1.0)
    out_ref[:, 0:HALF] = a0_ref[...] * inv
    out_ref[:, HALF:D] = a1_ref[...] * inv


def _finalize(agg2, deg):
    return pl.pallas_call(
        _final_body,
        grid=(NB,),
        in_specs=[
            pl.BlockSpec((BLK, HALF), lambda j: (j, 0)),
            pl.BlockSpec((BLK, HALF), lambda j: (NB + j, 0)),
            pl.BlockSpec((BLK, HALF), lambda j: (j, 0)),
            pl.BlockSpec((BLK, HALF), lambda j: (NB + j, 0)),
        ],
        out_specs=pl.BlockSpec((BLK, D), lambda j: (j, 0)),
        out_shape=jax.ShapeDtypeStruct((N, D), jnp.float32),
    )(agg2, agg2, deg, deg)



def _zero_acc(zeros_hbm, acc_sh, sid):
    rbase = sid * SPAN
    pltpu.sync_copy(zeros_hbm.at[pl.ds(rbase, SPAN)],
                    acc_sh.at[pl.ds(rbase, SPAN)])

    @pl.when(sid == 0)
    def _():
        pltpu.sync_copy(zeros_hbm.at[pl.ds(SPAN * NS, NROWS - SPAN * NS)],
                        acc_sh.at[pl.ds(SPAN * NS, NROWS - SPAN * NS)])


def _write_acc(acc_sh, out_hbm, cid, sid):
    rbase = sid * SPAN
    pltpu.sync_copy(acc_sh.at[pl.ds(rbase, SPAN)],
                    out_hbm.at[pl.ds(cid * N + rbase, SPAN)])

    @pl.when(sid == 0)
    def _():
        pltpu.sync_copy(acc_sh.at[pl.ds(SPAN * NS, TAIL)],
                        out_hbm.at[pl.ds(cid * N + SPAN * NS, TAIL)])


def _sc_body_common(with_deg, sup_hbm, src3_hbm, dst3_hbm, dstd3_hbm,
                    zeros_hbm, ones_hbm, agg_out, deg_out,
                    src_v, dst_v, buf0, acc_sh):
    cid = lax.axis_index("c")
    sid = lax.axis_index("s")

    wid = cid * NS + sid

    if with_deg:
        pltpu.sync_copy(dstd3_hbm.at[pl.ds(wid * DNCH, DNCH)],
                        src_v.at[pl.ds(0, DNCH)])
        pltpu.sync_copy(ones_hbm, buf0)
    _zero_acc(zeros_hbm, acc_sh, sid)
    plsc.subcore_barrier()

    if with_deg:
        def deg_step(k, carry):
            pltpu.sync_copy(buf0, acc_sh.at[src_v.at[k]], add=True)
            return carry

        lax.fori_loop(0, DNCH, deg_step, 0)
        plsc.subcore_barrier()
        _write_acc(acc_sh, deg_out, cid, sid)
        plsc.subcore_barrier()

    pltpu.sync_copy(src3_hbm.at[pl.ds(wid * NCH, NCH)], src_v)

    pltpu.sync_copy(dst3_hbm.at[pl.ds(sid * NCH, NCH)], dst_v)

    def chunk_step(k, carry):
        pltpu.sync_copy(sup_hbm.at[src_v.at[k]], buf0)
        pltpu.sync_copy(buf0, acc_sh.at[dst_v.at[k]], add=True)
        return carry

    lax.fori_loop(0, NCH, chunk_step, 0)
    plsc.subcore_barrier()
    _write_acc(acc_sh, agg_out, cid, sid)


def _make_sc_kernel(with_deg):
    mesh = plsc.VectorSubcoreMesh(core_axis_name="c", subcore_axis_name="s")
    if with_deg:
        out_type = (jax.ShapeDtypeStruct((NC * N, HALF), jnp.float32),
                    jax.ShapeDtypeStruct((NC * N, HALF), jnp.float32))
    else:
        out_type = jax.ShapeDtypeStruct((NC * N, HALF), jnp.float32)
    scratch = [
        pltpu.VMEM((NCH, CW), jnp.int32),
        pltpu.VMEM((NCH, CW), jnp.int32),
        pltpu.VMEM((CW, HALF), jnp.float32),
        pltpu.VMEM_SHARED((NROWS, HALF), jnp.float32),
    ]

    if with_deg:
        def body(sup, src3, dst3, dstd3, z, ones, agg_out, deg_out,
                 src_v, dst_v, buf0, acc_sh):
            _sc_body_common(True, sup, src3, dst3, dstd3, z, ones,
                            agg_out, deg_out, src_v, dst_v, buf0, acc_sh)
    else:
        def body(sup, src3, dst3, dstd3, z, ones, agg_out,
                 src_v, dst_v, buf0, acc_sh):
            _sc_body_common(False, sup, src3, dst3, dstd3, z, ones,
                            agg_out, None, src_v, dst_v, buf0, acc_sh)

    return pl.kernel(body, out_type=out_type, mesh=mesh, scratch_types=scratch)


_sc_layer1 = _make_sc_kernel(True)
_sc_layer2 = _make_sc_kernel(False)



def kernel(x, edge_index, W1, b1, W2, b2):
    src = edge_index[0]
    dst = edge_index[1]
    padw = NCH * CW - EDGES_PER_TILE
    sp = jnp.concatenate(
        [src.reshape(NS, EDGES_PER_TILE),
         jnp.zeros((NS, padw), jnp.int32)], axis=1)
    src3 = jnp.concatenate([sp, sp + N], axis=0).reshape(NC * NS * NCH, CW)
    dst3 = jnp.concatenate(
        [dst.reshape(NS, EDGES_PER_TILE),
         jnp.full((NS, padw), N, jnp.int32)], axis=1).reshape(NS * NCH, CW)
    dpadw = DNCH * CW - DEG_PER_WORKER
    dstd3 = jnp.concatenate(
        [dst.reshape(NC * NS, DEG_PER_WORKER),
         jnp.full((NC * NS, dpadw), N, jnp.int32)],
        axis=1).reshape(NC * NS * DNCH, CW)
    b1_2h = b1.reshape(NC, 1, HALF)
    b2_2h = b2.reshape(NC, 1, HALF)
    zeros = jnp.zeros((NROWS, HALF), jnp.float32)
    ones = jnp.ones((CW, HALF), jnp.float32)

    sup1 = _support1(x, W1, b1_2h)
    agg1, deg = _sc_layer1(sup1, src3, dst3, dstd3, zeros, ones)
    sup2 = _support2(agg1, deg, W2, b2_2h)
    agg2 = _sc_layer2(sup2, src3, dst3, dstd3, zeros, ones)
    return _finalize(agg2, deg)

# --- scband reference (transcript-rebuilt; emitter-appended) ---
"""Pipeline reference for scband-gcndecoder-15564961481501 (READ-ONLY COPY).

The authoritative reference and input builder live on the scoring server;
editing this copy changes nothing except your own understanding.
"""

import jax, jax.numpy as jnp
import numpy as np

N = 10000
E = 160000
D = 256


def setup_inputs(seed: int = 0) -> dict:
    key = jax.random.key(seed)
    k1, k2, k3, k4, k5, k6 = jax.random.split(key, 6)
    x = jax.random.normal(k1, (N, D), dtype=jnp.float32)
    edge_index = jax.random.randint(k2, (2, E), 0, N, dtype=jnp.int32)
    scale = 1.0 / np.sqrt(D)
    W1 = jax.random.normal(k3, (D, D), dtype=jnp.float32) * scale
    b1 = jnp.zeros((D,), dtype=jnp.float32)
    W2 = jax.random.normal(k4, (D, D), dtype=jnp.float32) * scale
    b2 = jnp.zeros((D,), dtype=jnp.float32)
    return {"x": x, "edge_index": edge_index, "W1": W1, "b1": b1, "W2": W2, "b2": b2}


def _gcn_layer(h, src, dst, W, b, act):
    # GraphConvolution: linear transform, message passing (gather on src,
    # scatter-add on dst), degree normalization, activation.
    support = h @ W + b
    msg = jnp.take(support, src, axis=0)
    agg = jax.ops.segment_sum(msg, dst, num_segments=N)
    deg = jax.ops.segment_sum(jnp.ones((src.shape[0],), dtype=jnp.float32), dst, num_segments=N)
    out = agg / jnp.clip(deg, 1.0, None)[:, None]
    return act(out)


def reference(x, edge_index, W1, b1, W2, b2):
    src = edge_index[0]
    dst = edge_index[1]
    h1 = _gcn_layer(x, src, dst, W1, b1, jax.nn.relu)
    h2 = _gcn_layer(h1, src, dst, W2, b2, lambda z: z)
    return h2

if __name__ == "__main__":
    import jax
    _d = setup_inputs()
    print(jax.jit(kernel)(*tuple(_d.values())))

</pallas_src>

<mosaic_0001>
#map = affine_map<(d0, d1) -> (0, 0)>
module attributes {stable_mosaic.version = 14 : i64} {
  func.func @body(%arg0: i32, %arg1: i32, %arg2: memref<20000x128xf32, #tpu.memory_space<hbm>>, %arg3: memref<2560x128xi32, #tpu.memory_space<hbm>>, %arg4: memref<1280x128xi32, #tpu.memory_space<hbm>>, %arg5: memref<1280x128xi32, #tpu.memory_space<hbm>>, %arg6: memref<10008x128xf32, #tpu.memory_space<hbm>>, %arg7: memref<128x128xf32, #tpu.memory_space<hbm>>, %arg8: memref<20000x128xf32, #tpu.memory_space<hbm>>, %arg9: memref<20000x128xf32, #tpu.memory_space<hbm>>, %arg10: memref<80x128xi32, #tpu.memory_space<vmem>>, %arg11: memref<80x128xi32, #tpu.memory_space<vmem>>, %arg12: memref<128x128xf32, #tpu.memory_space<vmem>>, %arg13: memref<10008x128xf32, #tpu.memory_space<vmem_shared>>) attributes {dimension_semantics = [#tpu.dimension_semantics<core_parallel>, #tpu.dimension_semantics<subcore_parallel>], iteration_bounds = array<i64: 2, 16>, scalar_prefetch = 0 : i64, scratch_operands = 4 : i64, tpu.core_type = #tpu.core_type<sc_vector_subcore>, window_params = [{transform_indices = #map}, {transform_indices = #map}, {transform_indices = #map}, {transform_indices = #map}, {transform_indices = #map}, {transform_indices = #map}, {transform_indices = #map}, {transform_indices = #map}]} {
    %mul3A = arith.constant 16 : i32
    %mul3A_0 = arith.muli %arg0, %mul3A : i32
    %add3A = arith.addi %mul3A_0, %arg1 : i32
    %mul3A_1 = arith.constant 40 : i32
    %mul3A_2 = arith.muli %add3A, %mul3A_1 : i32
    "tpu.region"() ({
      %run_scoped3A = tpu.sem_alloc : memref<!tpu.dma_semaphore, #tpu.memory_space<semaphore_mem>>
      %dma_start3A = arith.constant 0 : i32
      %dma_start3A_45 = arith.constant 0 : i32
      %dma_start3A_46 = tpu.memref_slice %arg10[%dma_start3A, %dma_start3A_45] : memref<80x128xi32, #tpu.memory_space<vmem>> -> memref<40x128xi32, #tpu.memory_space<vmem>>
      %dma_start3A_47 = arith.constant 0 : i32
      %dma_start3A_48 = tpu.memref_slice %arg5[%mul3A_2, %dma_start3A_47] : memref<1280x128xi32, #tpu.memory_space<hbm>> -> memref<40x128xi32, #tpu.memory_space<hbm>>
      %dma_start3A_49 = arith.constant 0 : i32
      %dma_start3A_50 = arith.constant 0 : i32
      %dma_start3A_51 = tpu.memref_slice %arg10[%dma_start3A_49, %dma_start3A_50] : memref<80x128xi32, #tpu.memory_space<vmem>> -> memref<40x128xi32, #tpu.memory_space<vmem>>
      %dma_start3A_52 = arith.constant 0 : i32
      %dma_start3A_53 = tpu.memref_slice %arg5[%mul3A_2, %dma_start3A_52] : memref<1280x128xi32, #tpu.memory_space<hbm>> -> memref<40x128xi32, #tpu.memory_space<hbm>>
      tpu.enqueue_dma source(%dma_start3A_53 : memref<40x128xi32, #tpu.memory_space<hbm>>) target(%dma_start3A_51 : memref<40x128xi32, #tpu.memory_space<vmem>>) target_semaphore(%run_scoped3A : memref<!tpu.dma_semaphore, #tpu.memory_space<semaphore_mem>>)
      %dma_wait3A = arith.constant 0 : i32
      %dma_wait3A_54 = arith.constant 0 : i32
      %dma_wait3A_55 = tpu.memref_slice %arg10[%dma_wait3A, %dma_wait3A_54] : memref<80x128xi32, #tpu.memory_space<vmem>> -> memref<40x128xi32, #tpu.memory_space<vmem>>
      %dma_wait3A_56 = arith.constant 0 : i32
      %dma_wait3A_57 = tpu.memref_slice %arg5[%mul3A_2, %dma_wait3A_56] : memref<1280x128xi32, #tpu.memory_space<hbm>> -> memref<40x128xi32, #tpu.memory_space<hbm>>
      %dma_wait3A_58 = arith.constant 0 : i32
      %dma_wait3A_59 = arith.constant 0 : i32
      %dma_wait3A_60 = tpu.memref_slice %arg10[%dma_wait3A_58, %dma_wait3A_59] : memref<80x128xi32, #tpu.memory_space<vmem>> -> memref<40x128xi32, #tpu.memory_space<vmem>>
      %dma_wait3A_61 = arith.constant 0 : i32
      %dma_wait3A_62 = tpu.memref_slice %arg5[%mul3A_2, %dma_wait3A_61] : memref<1280x128xi32, #tpu.memory_space<hbm>> -> memref<40x128xi32, #tpu.memory_space<hbm>>
      tpu.wait_dma2 semaphore(%run_scoped3A : memref<!tpu.dma_semaphore, #tpu.memory_space<semaphore_mem>>) src(%dma_wait3A_62 : memref<40x128xi32, #tpu.memory_space<hbm>>) dst(%dma_wait3A_60 : memref<40x128xi32, #tpu.memory_space<vmem>>)
      tpu.yield
    }) : () -> ()
    "tpu.region"() ({
      %run_scoped3A = tpu.sem_alloc : memref<!tpu.dma_semaphore, #tpu.memory_space<semaphore_mem>>
      tpu.enqueue_dma source(%arg7 : memref<128x128xf32, #tpu.memory_space<hbm>>) target(%arg12 : memref<128x128xf32, #tpu.memory_space<vmem>>) target_semaphore(%run_scoped3A : memref<!tpu.dma_semaphore, #tpu.memory_space<semaphore_mem>>)
      tpu.wait_dma2 semaphore(%run_scoped3A : memref<!tpu.dma_semaphore, #tpu.memory_space<semaphore_mem>>) src(%arg7 : memref<128x128xf32, #tpu.memory_space<hbm>>) dst(%arg12 : memref<128x128xf32, #tpu.memory_space<vmem>>)
      tpu.yield
    }) : () -> ()
    %mul3A_3 = arith.constant 624 : i32
    %mul3A_4 = arith.muli %arg1, %mul3A_3 : i32
    "tpu.region"() ({
      %run_scoped3A = tpu.sem_alloc : memref<!tpu.dma_semaphore, #tpu.memory_space<semaphore_mem>>
      %dma_start3A = arith.constant 0 : i32
      %dma_start3A_45 = tpu.memref_slice %arg13[%mul3A_4, %dma_start3A] : memref<10008x128xf32, #tpu.memory_space<vmem_shared>> -> memref<624x128xf32, #tpu.memory_space<vmem_shared>>
      %dma_start3A_46 = arith.constant 0 : i32
      %dma_start3A_47 = tpu.memref_slice %arg6[%mul3A_4, %dma_start3A_46] : memref<10008x128xf32, #tpu.memory_space<hbm>> -> memref<624x128xf32, #tpu.memory_space<hbm>>
      tpu.enqueue_dma source(%dma_start3A_47 : memref<624x128xf32, #tpu.memory_space<hbm>>) target(%dma_start3A_45 : memref<624x128xf32, #tpu.memory_space<vmem_shared>>) target_semaphore(%run_scoped3A : memref<!tpu.dma_semaphore, #tpu.memory_space<semaphore_mem>>)
      %dma_wait3A = arith.constant 0 : i32
      %dma_wait3A_48 = tpu.memref_slice %arg13[%mul3A_4, %dma_wait3A] : memref<10008x128xf32, #tpu.memory_space<vmem_shared>> -> memref<624x128xf32, #tpu.memory_space<vmem_shared>>
      %dma_wait3A_49 = arith.constant 0 : i32
      %dma_wait3A_50 = tpu.memref_slice %arg6[%mul3A_4, %dma_wait3A_49] : memref<10008x128xf32, #tpu.memory_space<hbm>> -> memref<624x128xf32, #tpu.memory_space<hbm>>
      tpu.wait_dma2 semaphore(%run_scoped3A : memref<!tpu.dma_semaphore, #tpu.memory_space<semaphore_mem>>) src(%dma_wait3A_50 : memref<624x128xf32, #tpu.memory_space<hbm>>) dst(%dma_wait3A_48 : memref<624x128xf32, #tpu.memory_space<vmem_shared>>)
      tpu.yield
    }) : () -> ()
    %eq3A = arith.constant 0 : i32
    %eq3A_5 = arith.cmpi eq, %arg1, %eq3A : i32
    %convert_element_type3A = arith.extui %eq3A_5 : i1 to i32
    %cond3A = arith.constant 0 : i32
    %cond3A_6 = arith.cmpi ne, %convert_element_type3A, %cond3A : i32
    scf.if %cond3A_6 {
      "tpu.region"() ({
        %run_scoped3A = tpu.sem_alloc : memref<!tpu.dma_semaphore, #tpu.memory_space<semaphore_mem>>
        %dma_start3A = arith.constant 9984 : i32
        %dma_start3A_45 = arith.constant 0 : i32
        %dma_start3A_46 = tpu.memref_slice %arg13[%dma_start3A, %dma_start3A_45] : memref<10008x128xf32, #tpu.memory_space<vmem_shared>> -> memref<24x128xf32, #tpu.memory_space<vmem_shared>>
        %dma_start3A_47 = arith.constant 9984 : i32
        %dma_start3A_48 = arith.constant 0 : i32
        %dma_start3A_49 = tpu.memref_slice %arg6[%dma_start3A_47, %dma_start3A_48] : memref<10008x128xf32, #tpu.memory_space<hbm>> -> memref<24x128xf32, #tpu.memory_space<hbm>>
        tpu.enqueue_dma source(%dma_start3A_49 : memref<24x128xf32, #tpu.memory_space<hbm>>) target(%dma_start3A_46 : memref<24x128xf32, #tpu.memory_space<vmem_shared>>) target_semaphore(%run_scoped3A : memref<!tpu.dma_semaphore, #tpu.memory_space<semaphore_mem>>)
        %dma_wait3A = arith.constant 9984 : i32
        %dma_wait3A_50 = arith.constant 0 : i32
        %dma_wait3A_51 = tpu.memref_slice %arg13[%dma_wait3A, %dma_wait3A_50] : memref<10008x128xf32, #tpu.memory_space<vmem_shared>> -> memref<24x128xf32, #tpu.memory_space<vmem_shared>>
        %dma_wait3A_52 = arith.constant 9984 : i32
        %dma_wait3A_53 = arith.constant 0 : i32
        %dma_wait3A_54 = tpu.memref_slice %arg6[%dma_wait3A_52, %dma_wait3A_53] : memref<10008x128xf32, #tpu.memory_space<hbm>> -> memref<24x128xf32, #tpu.memory_space<hbm>>
        tpu.wait_dma2 semaphore(%run_scoped3A : memref<!tpu.dma_semaphore, #tpu.memory_space<semaphore_mem>>) src(%dma_wait3A_54 : memref<24x128xf32, #tpu.memory_space<hbm>>) dst(%dma_wait3A_51 : memref<24x128xf32, #tpu.memory_space<vmem_shared>>)
        tpu.yield
      }) : () -> ()
    } else {
    }
    %barrier3A = arith.constant 0 : index
    tpu.barrier barrier_id(%barrier3A)
    %scan3A = arith.constant 0 : i32
    %scan3A_7 = arith.constant 0 : i32
    %scan3A_8 = arith.constant 40 : i32
    %scan3A_9 = arith.addi %scan3A_7, %scan3A_8 : i32
    %scan3A_10 = arith.constant 1 : i32
    scf.for %scan3A_45 = %scan3A_7 to %scan3A_9 step %scan3A_10  : i32 {
      "tpu.region"() ({
        %run_scoped3A = tpu.sem_alloc : memref<!tpu.dma_semaphore, #tpu.memory_space<semaphore_mem>>
        %dma_start3A = arith.constant 0 : i32
        %dma_start3A_46 = tpu.memref_slice %arg10[%scan3A_45, %dma_start3A] : memref<80x128xi32, #tpu.memory_space<vmem>> -> memref<1x128xi32, #tpu.memory_space<vmem>>
        %dma_start3A_47 = tpu.memref_squeeze %dma_start3A_46 : memref<1x128xi32, #tpu.memory_space<vmem>> -> memref<128xi32, #tpu.memory_space<vmem>>
        %dma_start3A_48 = arith.constant 0 : i32
        %dma_start3A_49 = arith.constant 0 : i32
        %dma_start3A_50 = tpu.memref_slice %arg13[%dma_start3A_48, %dma_start3A_49] : memref<10008x128xf32, #tpu.memory_space<vmem_shared>> -> memref<10008x128xf32, #tpu.memory_space<vmem_shared>>
        tpu.enqueue_indirect_dma source(%arg12 : memref<128x128xf32, #tpu.memory_space<vmem>>) target(%dma_start3A_50 : memref<10008x128xf32, #tpu.memory_space<vmem_shared>>) offsets(%dma_start3A_47 : memref<128xi32, #tpu.memory_space<vmem>>) semaphore(%run_scoped3A : memref<!tpu.dma_semaphore, #tpu.memory_space<semaphore_mem>>) {add = true}
        %dma_wait3A = arith.constant 0 : i32
        %dma_wait3A_51 = tpu.memref_slice %arg10[%scan3A_45, %dma_wait3A] : memref<80x128xi32, #tpu.memory_space<vmem>> -> memref<1x128xi32, #tpu.memory_space<vmem>>
        %dma_wait3A_52 = tpu.memref_squeeze %dma_wait3A_51 : memref<1x128xi32, #tpu.memory_space<vmem>> -> memref<128xi32, #tpu.memory_space<vmem>>
        %dma_wait3A_53 = arith.constant 0 : i32
        %dma_wait3A_54 = arith.constant 0 : i32
        %dma_wait3A_55 = tpu.memref_slice %arg13[%dma_wait3A_53, %dma_wait3A_54] : memref<10008x128xf32, #tpu.memory_space<vmem_shared>> -> memref<10008x128xf32, #tpu.memory_space<vmem_shared>>
        tpu.wait_indirect_dma semaphore(%run_scoped3A : memref<!tpu.dma_semaphore, #tpu.memory_space<semaphore_mem>>) src(%arg12 : memref<128x128xf32, #tpu.memory_space<vmem>>) dst(%dma_wait3A_55 : memref<10008x128xf32, #tpu.memory_space<vmem_shared>>)
        tpu.yield
      }) : () -> ()
    }
    %scan3A_11 = arith.constant 40 : i32
    %barrier3A_12 = arith.constant 0 : index
    tpu.barrier barrier_id(%barrier3A_12)
    %mul3A_13 = arith.constant 624 : i32
    %mul3A_14 = arith.muli %arg1, %mul3A_13 : i32
    %mul3A_15 = arith.constant 10000 : i32
    %mul3A_16 = arith.muli %arg0, %mul3A_15 : i32
    %add3A_17 = arith.addi %mul3A_16, %mul3A_14 : i32
    "tpu.region"() ({
      %run_scoped3A = tpu.sem_alloc : memref<!tpu.dma_semaphore, #tpu.memory_space<semaphore_mem>>
      %dma_start3A = arith.constant 0 : i32
      %dma_start3A_45 = tpu.memref_slice %arg9[%add3A_17, %dma_start3A] : memref<20000x128xf32, #tpu.memory_space<hbm>> -> memref<624x128xf32, #tpu.memory_space<hbm>>
      %dma_start3A_46 = arith.constant 0 : i32
      %dma_start3A_47 = tpu.memref_slice %arg13[%mul3A_14, %dma_start3A_46] : memref<10008x128xf32, #tpu.memory_space<vmem_shared>> -> memref<624x128xf32, #tpu.memory_space<vmem_shared>>
      tpu.enqueue_dma source(%dma_start3A_47 : memref<624x128xf32, #tpu.memory_space<vmem_shared>>) target(%dma_start3A_45 : memref<624x128xf32, #tpu.memory_space<hbm>>) target_semaphore(%run_scoped3A : memref<!tpu.dma_semaphore, #tpu.memory_space<semaphore_mem>>)
      %dma_wait3A = arith.constant 0 : i32
      %dma_wait3A_48 = tpu.memref_slice %arg9[%add3A_17, %dma_wait3A] : memref<20000x128xf32, #tpu.memory_space<hbm>> -> memref<624x128xf32, #tpu.memory_space<hbm>>
      %dma_wait3A_49 = arith.constant 0 : i32
      %dma_wait3A_50 = tpu.memref_slice %arg13[%mul3A_14, %dma_wait3A_49] : memref<10008x128xf32, #tpu.memory_space<vmem_shared>> -> memref<624x128xf32, #tpu.memory_space<vmem_shared>>
      tpu.wait_dma2 semaphore(%run_scoped3A : memref<!tpu.dma_semaphore, #tpu.memory_space<semaphore_mem>>) src(%dma_wait3A_50 : memref<624x128xf32, #tpu.memory_space<vmem_shared>>) dst(%dma_wait3A_48 : memref<624x128xf32, #tpu.memory_space<hbm>>)
      tpu.yield
    }) : () -> ()
    %eq3A_18 = arith.constant 0 : i32
    %eq3A_19 = arith.cmpi eq, %arg1, %eq3A_18 : i32
    %convert_element_type3A_20 = arith.extui %eq3A_19 : i1 to i32
    %cond3A_21 = arith.constant 0 : i32
    %cond3A_22 = arith.cmpi ne, %convert_element_type3A_20, %cond3A_21 : i32
    scf.if %cond3A_22 {
      %mul3A_45 = arith.constant 10000 : i32
      %mul3A_46 = arith.muli %arg0, %mul3A_45 : i32
      %add3A_47 = arith.constant 9984 : i32
      %add3A_48 = arith.addi %mul3A_46, %add3A_47 : i32
      "tpu.region"() ({
        %run_scoped3A = tpu.sem_alloc : memref<!tpu.dma_semaphore, #tpu.memory_space<semaphore_mem>>
        %dma_start3A = arith.constant 0 : i32
        %dma_start3A_49 = tpu.memref_slice %arg9[%add3A_48, %dma_start3A] : memref<20000x128xf32, #tpu.memory_space<hbm>> -> memref<16x128xf32, #tpu.memory_space<hbm>>
        %dma_start3A_50 = arith.constant 9984 : i32
        %dma_start3A_51 = arith.constant 0 : i32
        %dma_start3A_52 = tpu.memref_slice %arg13[%dma_start3A_50, %dma_start3A_51] : memref<10008x128xf32, #tpu.memory_space<vmem_shared>> -> memref<16x128xf32, #tpu.memory_space<vmem_shared>>
        tpu.enqueue_dma source(%dma_start3A_52 : memref<16x128xf32, #tpu.memory_space<vmem_shared>>) target(%dma_start3A_49 : memref<16x128xf32, #tpu.memory_space<hbm>>) target_semaphore(%run_scoped3A : memref<!tpu.dma_semaphore, #tpu.memory_space<semaphore_mem>>)
        %dma_wait3A = arith.constant 0 : i32
        %dma_wait3A_53 = tpu.memref_slice %arg9[%add3A_48, %dma_wait3A] : memref<20000x128xf32, #tpu.memory_space<hbm>> -> memref<16x128xf32, #tpu.memory_space<hbm>>
        %dma_wait3A_54 = arith.constant 9984 : i32
        %dma_wait3A_55 = arith.constant 0 : i32
        %dma_wait3A_56 = tpu.memref_slice %arg13[%dma_wait3A_54, %dma_wait3A_55] : memref<10008x128xf32, #tpu.memory_space<vmem_shared>> -> memref<16x128xf32, #tpu.memory_space<vmem_shared>>
        tpu.wait_dma2 semaphore(%run_scoped3A : memref<!tpu.dma_semaphore, #tpu.memory_space<semaphore_mem>>) src(%dma_wait3A_56 : memref<16x128xf32, #tpu.memory_space<vmem_shared>>) dst(%dma_wait3A_53 : memref<16x128xf32, #tpu.memory_space<hbm>>)
        tpu.yield
      }) : () -> ()
    } else {
    }
    %barrier3A_23 = arith.constant 0 : index
    tpu.barrier barrier_id(%barrier3A_23)
    %mul3A_24 = arith.constant 80 : i32
    %mul3A_25 = arith.muli %add3A, %mul3A_24 : i32
    "tpu.region"() ({
      %run_scoped3A = tpu.sem_alloc : memref<!tpu.dma_semaphore, #tpu.memory_space<semaphore_mem>>
      %dma_start3A = arith.constant 0 : i32
      %dma_start3A_45 = tpu.memref_slice %arg3[%mul3A_25, %dma_start3A] : memref<2560x128xi32, #tpu.memory_space<hbm>> -> memref<80x128xi32, #tpu.memory_space<hbm>>
      %dma_start3A_46 = arith.constant 0 : i32
      %dma_start3A_47 = tpu.memref_slice %arg3[%mul3A_25, %dma_start3A_46] : memref<2560x128xi32, #tpu.memory_space<hbm>> -> memref<80x128xi32, #tpu.memory_space<hbm>>
      tpu.enqueue_dma source(%dma_start3A_47 : memref<80x128xi32, #tpu.memory_space<hbm>>) target(%arg10 : memref<80x128xi32, #tpu.memory_space<vmem>>) target_semaphore(%run_scoped3A : memref<!tpu.dma_semaphore, #tpu.memory_space<semaphore_mem>>)
      %dma_wait3A = arith.constant 0 : i32
      %dma_wait3A_48 = tpu.memref_slice %arg3[%mul3A_25, %dma_wait3A] : memref<2560x128xi32, #tpu.memory_space<hbm>> -> memref<80x128xi32, #tpu.memory_space<hbm>>
      %dma_wait3A_49 = arith.constant 0 : i32
      %dma_wait3A_50 = tpu.memref_slice %arg3[%mul3A_25, %dma_wait3A_49] : memref<2560x128xi32, #tpu.memory_space<hbm>> -> memref<80x128xi32, #tpu.memory_space<hbm>>
      tpu.wait_dma2 semaphore(%run_scoped3A : memref<!tpu.dma_semaphore, #tpu.memory_space<semaphore_mem>>) src(%dma_wait3A_50 : memref<80x128xi32, #tpu.memory_space<hbm>>) dst(%arg10 : memref<80x128xi32, #tpu.memory_space<vmem>>)
      tpu.yield
    }) : () -> ()
    %mul3A_26 = arith.constant 80 : i32
    %mul3A_27 = arith.muli %arg1, %mul3A_26 : i32
    "tpu.region"() ({
      %run_scoped3A = tpu.sem_alloc : memref<!tpu.dma_semaphore, #tpu.memory_space<semaphore_mem>>
      %dma_start3A = arith.constant 0 : i32
      %dma_start3A_45 = tpu.memref_slice %arg4[%mul3A_27, %dma_start3A] : memref<1280x128xi32, #tpu.memory_space<hbm>> -> memref<80x128xi32, #tpu.memory_space<hbm>>
      %dma_start3A_46 = arith.constant 0 : i32
      %dma_start3A_47 = tpu.memref_slice %arg4[%mul3A_27, %dma_start3A_46] : memref<1280x128xi32, #tpu.memory_space<hbm>> -> memref<80x128xi32, #tpu.memory_space<hbm>>
      tpu.enqueue_dma source(%dma_start3A_47 : memref<80x128xi32, #tpu.memory_space<hbm>>) target(%arg11 : memref<80x128xi32, #tpu.memory_space<vmem>>) target_semaphore(%run_scoped3A : memref<!tpu.dma_semaphore, #tpu.memory_space<semaphore_mem>>)
      %dma_wait3A = arith.constant 0 : i32
      %dma_wait3A_48 = tpu.memref_slice %arg4[%mul3A_27, %dma_wait3A] : memref<1280x128xi32, #tpu.memory_space<hbm>> -> memref<80x128xi32, #tpu.memory_space<hbm>>
      %dma_wait3A_49 = arith.constant 0 : i32
      %dma_wait3A_50 = tpu.memref_slice %arg4[%mul3A_27, %dma_wait3A_49] : memref<1280x128xi32, #tpu.memory_space<hbm>> -> memref<80x128xi32, #tpu.memory_space<hbm>>
      tpu.wait_dma2 semaphore(%run_scoped3A : memref<!tpu.dma_semaphore, #tpu.memory_space<semaphore_mem>>) src(%dma_wait3A_50 : memref<80x128xi32, #tpu.memory_space<hbm>>) dst(%arg11 : memref<80x128xi32, #tpu.memory_space<vmem>>)
      tpu.yield
    }) : () -> ()
    %scan3A_28 = arith.constant 0 : i32
    %scan3A_29 = arith.constant 0 : i32
    %scan3A_30 = arith.constant 80 : i32
    %scan3A_31 = arith.addi %scan3A_29, %scan3A_30 : i32
    %scan3A_32 = arith.constant 1 : i32
    scf.for %scan3A_45 = %scan3A_29 to %scan3A_31 step %scan3A_32  : i32 {
      "tpu.region"() ({
        %run_scoped3A = tpu.sem_alloc : memref<!tpu.dma_semaphore, #tpu.memory_space<semaphore_mem>>
        %dma_start3A = arith.constant 0 : i32
        %dma_start3A_46 = tpu.memref_slice %arg10[%scan3A_45, %dma_start3A] : memref<80x128xi32, #tpu.memory_space<vmem>> -> memref<1x128xi32, #tpu.memory_space<vmem>>
        %dma_start3A_47 = tpu.memref_squeeze %dma_start3A_46 : memref<1x128xi32, #tpu.memory_space<vmem>> -> memref<128xi32, #tpu.memory_space<vmem>>
        %dma_start3A_48 = arith.constant 0 : i32
        %dma_start3A_49 = arith.constant 0 : i32
        %dma_start3A_50 = tpu.memref_slice %arg2[%dma_start3A_48, %dma_start3A_49] : memref<20000x128xf32, #tpu.memory_space<hbm>> -> memref<20000x128xf32, #tpu.memory_space<hbm>>
        tpu.enqueue_indirect_dma source(%dma_start3A_50 : memref<20000x128xf32, #tpu.memory_space<hbm>>) target(%arg12 : memref<128x128xf32, #tpu.memory_space<vmem>>) offsets(%dma_start3A_47 : memref<128xi32, #tpu.memory_space<vmem>>) semaphore(%run_scoped3A : memref<!tpu.dma_semaphore, #tpu.memory_space<semaphore_mem>>)
        %dma_wait3A = arith.constant 0 : i32
        %dma_wait3A_51 = tpu.memref_slice %arg10[%scan3A_45, %dma_wait3A] : memref<80x128xi32, #tpu.memory_space<vmem>> -> memref<1x128xi32, #tpu.memory_space<vmem>>
        %dma_wait3A_52 = tpu.memref_squeeze %dma_wait3A_51 : memref<1x128xi32, #tpu.memory_space<vmem>> -> memref<128xi32, #tpu.memory_space<vmem>>
        %dma_wait3A_53 = arith.constant 0 : i32
        %dma_wait3A_54 = arith.constant 0 : i32
        %dma_wait3A_55 = tpu.memref_slice %arg2[%dma_wait3A_53, %dma_wait3A_54] : memref<20000x128xf32, #tpu.memory_space<hbm>> -> memref<20000x128xf32, #tpu.memory_space<hbm>>
        tpu.wait_indirect_dma semaphore(%run_scoped3A : memref<!tpu.dma_semaphore, #tpu.memory_space<semaphore_mem>>) src(%dma_wait3A_55 : memref<20000x128xf32, #tpu.memory_space<hbm>>) dst(%arg12 : memref<128x128xf32, #tpu.memory_space<vmem>>)
        tpu.yield
      }) : () -> ()
      "tpu.region"() ({
        %run_scoped3A = tpu.sem_alloc : memref<!tpu.dma_semaphore, #tpu.memory_space<semaphore_mem>>
        %dma_start3A = arith.constant 0 : i32
        %dma_start3A_46 = tpu.memref_slice %arg11[%scan3A_45, %dma_start3A] : memref<80x128xi32, #tpu.memory_space<vmem>> -> memref<1x128xi32, #tpu.memory_space<vmem>>
        %dma_start3A_47 = tpu.memref_squeeze %dma_start3A_46 : memref<1x128xi32, #tpu.memory_space<vmem>> -> memref<128xi32, #tpu.memory_space<vmem>>
        %dma_start3A_48 = arith.constant 0 : i32
        %dma_start3A_49 = arith.constant 0 : i32
        %dma_start3A_50 = tpu.memref_slice %arg13[%dma_start3A_48, %dma_start3A_49] : memref<10008x128xf32, #tpu.memory_space<vmem_shared>> -> memref<10008x128xf32, #tpu.memory_space<vmem_shared>>
        tpu.enqueue_indirect_dma source(%arg12 : memref<128x128xf32, #tpu.memory_space<vmem>>) target(%dma_start3A_50 : memref<10008x128xf32, #tpu.memory_space<vmem_shared>>) offsets(%dma_start3A_47 : memref<128xi32, #tpu.memory_space<vmem>>) semaphore(%run_scoped3A : memref<!tpu.dma_semaphore, #tpu.memory_space<semaphore_mem>>) {add = true}
        %dma_wait3A = arith.constant 0 : i32
        %dma_wait3A_51 = tpu.memref_slice %arg11[%scan3A_45, %dma_wait3A] : memref<80x128xi32, #tpu.memory_space<vmem>> -> memref<1x128xi32, #tpu.memory_space<vmem>>
        %dma_wait3A_52 = tpu.memref_squeeze %dma_wait3A_51 : memref<1x128xi32, #tpu.memory_space<vmem>> -> memref<128xi32, #tpu.memory_space<vmem>>
        %dma_wait3A_53 = arith.constant 0 : i32
        %dma_wait3A_54 = arith.constant 0 : i32
        %dma_wait3A_55 = tpu.memref_slice %arg13[%dma_wait3A_53, %dma_wait3A_54] : memref<10008x128xf32, #tpu.memory_space<vmem_shared>> -> memref<10008x128xf32, #tpu.memory_space<vmem_shared>>
        tpu.wait_indirect_dma semaphore(%run_scoped3A : memref<!tpu.dma_semaphore, #tpu.memory_space<semaphore_mem>>) src(%arg12 : memref<128x128xf32, #tpu.memory_space<vmem>>) dst(%dma_wait3A_55 : memref<10008x128xf32, #tpu.memory_space<vmem_shared>>)
        tpu.yield
      }) : () -> ()
    }
    %scan3A_33 = arith.constant 80 : i32
    %barrier3A_34 = arith.constant 0 : index
    tpu.barrier barrier_id(%barrier3A_34)
    %mul3A_35 = arith.constant 624 : i32
    %mul3A_36 = arith.muli %arg1, %mul3A_35 : i32
    %mul3A_37 = arith.constant 10000 : i32
    %mul3A_38 = arith.muli %arg0, %mul3A_37 : i32
    %add3A_39 = arith.addi %mul3A_38, %mul3A_36 : i32
    "tpu.region"() ({
      %run_scoped3A = tpu.sem_alloc : memref<!tpu.dma_semaphore, #tpu.memory_space<semaphore_mem>>
      %dma_start3A = arith.constant 0 : i32
      %dma_start3A_45 = tpu.memref_slice %arg8[%add3A_39, %dma_start3A] : memref<20000x128xf32, #tpu.memory_space<hbm>> -> memref<624x128xf32, #tpu.memory_space<hbm>>
      %dma_start3A_46 = arith.constant 0 : i32
      %dma_start3A_47 = tpu.memref_slice %arg13[%mul3A_36, %dma_start3A_46] : memref<10008x128xf32, #tpu.memory_space<vmem_shared>> -> memref<624x128xf32, #tpu.memory_space<vmem_shared>>
      tpu.enqueue_dma source(%dma_start3A_47 : memref<624x128xf32, #tpu.memory_space<vmem_shared>>) target(%dma_start3A_45 : memref<624x128xf32, #tpu.memory_space<hbm>>) target_semaphore(%run_scoped3A : memref<!tpu.dma_semaphore, #tpu.memory_space<semaphore_mem>>)
      %dma_wait3A = arith.constant 0 : i32
      %dma_wait3A_48 = tpu.memref_slice %arg8[%add3A_39, %dma_wait3A] : memref<20000x128xf32, #tpu.memory_space<hbm>> -> memref<624x128xf32, #tpu.memory_space<hbm>>
      %dma_wait3A_49 = arith.constant 0 : i32
      %dma_wait3A_50 = tpu.memref_slice %arg13[%mul3A_36, %dma_wait3A_49] : memref<10008x128xf32, #tpu.memory_space<vmem_shared>> -> memref<624x128xf32, #tpu.memory_space<vmem_shared>>
      tpu.wait_dma2 semaphore(%run_scoped3A : memref<!tpu.dma_semaphore, #tpu.memory_space<semaphore_mem>>) src(%dma_wait3A_50 : memref<624x128xf32, #tpu.memory_space<vmem_shared>>) dst(%dma_wait3A_48 : memref<624x128xf32, #tpu.memory_space<hbm>>)
      tpu.yield
    }) : () -> ()
    %eq3A_40 = arith.constant 0 : i32
    %eq3A_41 = arith.cmpi eq, %arg1, %eq3A_40 : i32
    %convert_element_type3A_42 = arith.extui %eq3A_41 : i1 to i32
    %cond3A_43 = arith.constant 0 : i32
    %cond3A_44 = arith.cmpi ne, %convert_element_type3A_42, %cond3A_43 : i32
    scf.if %cond3A_44 {
      %mul3A_45 = arith.constant 10000 : i32
      %mul3A_46 = arith.muli %arg0, %mul3A_45 : i32
      %add3A_47 = arith.constant 9984 : i32
      %add3A_48 = arith.addi %mul3A_46, %add3A_47 : i32
      "tpu.region"() ({
        %run_scoped3A = tpu.sem_alloc : memref<!tpu.dma_semaphore, #tpu.memory_space<semaphore_mem>>
        %dma_start3A = arith.constant 0 : i32
        %dma_start3A_49 = tpu.memref_slice %arg8[%add3A_48, %dma_start3A] : memref<20000x128xf32, #tpu.memory_space<hbm>> -> memref<16x128xf32, #tpu.memory_space<hbm>>
        %dma_start3A_50 = arith.constant 9984 : i32
        %dma_start3A_51 = arith.constant 0 : i32
        %dma_start3A_52 = tpu.memref_slice %arg13[%dma_start3A_50, %dma_start3A_51] : memref<10008x128xf32, #tpu.memory_space<vmem_shared>> -> memref<16x128xf32, #tpu.memory_space<vmem_shared>>
        tpu.enqueue_dma source(%dma_start3A_52 : memref<16x128xf32, #tpu.memory_space<vmem_shared>>) target(%dma_start3A_49 : memref<16x128xf32, #tpu.memory_space<hbm>>) target_semaphore(%run_scoped3A : memref<!tpu.dma_semaphore, #tpu.memory_space<semaphore_mem>>)
        %dma_wait3A = arith.constant 0 : i32
        %dma_wait3A_53 = tpu.memref_slice %arg8[%add3A_48, %dma_wait3A] : memref<20000x128xf32, #tpu.memory_space<hbm>> -> memref<16x128xf32, #tpu.memory_space<hbm>>
        %dma_wait3A_54 = arith.constant 9984 : i32
        %dma_wait3A_55 = arith.constant 0 : i32
        %dma_wait3A_56 = tpu.memref_slice %arg13[%dma_wait3A_54, %dma_wait3A_55] : memref<10008x128xf32, #tpu.memory_space<vmem_shared>> -> memref<16x128xf32, #tpu.memory_space<vmem_shared>>
        tpu.wait_dma2 semaphore(%run_scoped3A : memref<!tpu.dma_semaphore, #tpu.memory_space<semaphore_mem>>) src(%dma_wait3A_56 : memref<16x128xf32, #tpu.memory_space<vmem_shared>>) dst(%dma_wait3A_53 : memref<16x128xf32, #tpu.memory_space<hbm>>)
        tpu.yield
      }) : () -> ()
    } else {
    }
    return
  }
}

#map = affine_map<(d0, d1) -> (0, 0)>
module attributes {stable_mosaic.version = 14 : i64} {
  func.func @body(%arg0: i32, %arg1: i32, %arg2: memref<20000x128xf32, #tpu.memory_space<hbm>>, %arg3: memref<2560x128xi32, #tpu.memory_space<hbm>>, %arg4: memref<1280x128xi32, #tpu.memory_space<hbm>>, %arg5: memref<1280x128xi32, #tpu.memory_space<hbm>>, %arg6: memref<10008x128xf32, #tpu.memory_space<hbm>>, %arg7: memref<128x128xf32, #tpu.memory_space<hbm>>, %arg8: memref<20000x128xf32, #tpu.memory_space<hbm>>, %arg9: memref<80x128xi32, #tpu.memory_space<vmem>>, %arg10: memref<80x128xi32, #tpu.memory_space<vmem>>, %arg11: memref<128x128xf32, #tpu.memory_space<vmem>>, %arg12: memref<10008x128xf32, #tpu.memory_space<vmem_shared>>) attributes {dimension_semantics = [#tpu.dimension_semantics<core_parallel>, #tpu.dimension_semantics<subcore_parallel>], iteration_bounds = array<i64: 2, 16>, scalar_prefetch = 0 : i64, scratch_operands = 4 : i64, tpu.core_type = #tpu.core_type<sc_vector_subcore>, window_params = [{transform_indices = #map}, {transform_indices = #map}, {transform_indices = #map}, {transform_indices = #map}, {transform_indices = #map}, {transform_indices = #map}, {transform_indices = #map}]} {
    %mul3A = arith.constant 16 : i32
    %mul3A_0 = arith.muli %arg0, %mul3A : i32
    %add3A = arith.addi %mul3A_0, %arg1 : i32
    %mul3A_1 = arith.constant 624 : i32
    %mul3A_2 = arith.muli %arg1, %mul3A_1 : i32
    "tpu.region"() ({
      %run_scoped3A = tpu.sem_alloc : memref<!tpu.dma_semaphore, #tpu.memory_space<semaphore_mem>>
      %dma_start3A = arith.constant 0 : i32
      %dma_start3A_25 = tpu.memref_slice %arg12[%mul3A_2, %dma_start3A] : memref<10008x128xf32, #tpu.memory_space<vmem_shared>> -> memref<624x128xf32, #tpu.memory_space<vmem_shared>>
      %dma_start3A_26 = arith.constant 0 : i32
      %dma_start3A_27 = tpu.memref_slice %arg6[%mul3A_2, %dma_start3A_26] : memref<10008x128xf32, #tpu.memory_space<hbm>> -> memref<624x128xf32, #tpu.memory_space<hbm>>
      tpu.enqueue_dma source(%dma_start3A_27 : memref<624x128xf32, #tpu.memory_space<hbm>>) target(%dma_start3A_25 : memref<624x128xf32, #tpu.memory_space<vmem_shared>>) target_semaphore(%run_scoped3A : memref<!tpu.dma_semaphore, #tpu.memory_space<semaphore_mem>>)
      %dma_wait3A = arith.constant 0 : i32
      %dma_wait3A_28 = tpu.memref_slice %arg12[%mul3A_2, %dma_wait3A] : memref<10008x128xf32, #tpu.memory_space<vmem_shared>> -> memref<624x128xf32, #tpu.memory_space<vmem_shared>>
      %dma_wait3A_29 = arith.constant 0 : i32
      %dma_wait3A_30 = tpu.memref_slice %arg6[%mul3A_2, %dma_wait3A_29] : memref<10008x128xf32, #tpu.memory_space<hbm>> -> memref<624x128xf32, #tpu.memory_space<hbm>>
      tpu.wait_dma2 semaphore(%run_scoped3A : memref<!tpu.dma_semaphore, #tpu.memory_space<semaphore_mem>>) src(%dma_wait3A_30 : memref<624x128xf32, #tpu.memory_space<hbm>>) dst(%dma_wait3A_28 : memref<624x128xf32, #tpu.memory_space<vmem_shared>>)
      tpu.yield
    }) : () -> ()
    %eq3A = arith.constant 0 : i32
    %eq3A_3 = arith.cmpi eq, %arg1, %eq3A : i32
    %convert_element_type3A = arith.extui %eq3A_3 : i1 to i32
    %cond3A = arith.constant 0 : i32
    %cond3A_4 = arith.cmpi ne, %convert_element_type3A, %cond3A : i32
    scf.if %cond3A_4 {
      "tpu.region"() ({
        %run_scoped3A = tpu.sem_alloc : memref<!tpu.dma_semaphore, #tpu.memory_space<semaphore_mem>>
        %dma_start3A = arith.constant 9984 : i32
        %dma_start3A_25 = arith.constant 0 : i32
        %dma_start3A_26 = tpu.memref_slice %arg12[%dma_start3A, %dma_start3A_25] : memref<10008x128xf32, #tpu.memory_space<vmem_shared>> -> memref<24x128xf32, #tpu.memory_space<vmem_shared>>
        %dma_start3A_27 = arith.constant 9984 : i32
        %dma_start3A_28 = arith.constant 0 : i32
        %dma_start3A_29 = tpu.memref_slice %arg6[%dma_start3A_27, %dma_start3A_28] : memref<10008x128xf32, #tpu.memory_space<hbm>> -> memref<24x128xf32, #tpu.memory_space<hbm>>
        tpu.enqueue_dma source(%dma_start3A_29 : memref<24x128xf32, #tpu.memory_space<hbm>>) target(%dma_start3A_26 : memref<24x128xf32, #tpu.memory_space<vmem_shared>>) target_semaphore(%run_scoped3A : memref<!tpu.dma_semaphore, #tpu.memory_space<semaphore_mem>>)
        %dma_wait3A = arith.constant 9984 : i32
        %dma_wait3A_30 = arith.constant 0 : i32
        %dma_wait3A_31 = tpu.memref_slice %arg12[%dma_wait3A, %dma_wait3A_30] : memref<10008x128xf32, #tpu.memory_space<vmem_shared>> -> memref<24x128xf32, #tpu.memory_space<vmem_shared>>
        %dma_wait3A_32 = arith.constant 9984 : i32
        %dma_wait3A_33 = arith.constant 0 : i32
        %dma_wait3A_34 = tpu.memref_slice %arg6[%dma_wait3A_32, %dma_wait3A_33] : memref<10008x128xf32, #tpu.memory_space<hbm>> -> memref<24x128xf32, #tpu.memory_space<hbm>>
        tpu.wait_dma2 semaphore(%run_scoped3A : memref<!tpu.dma_semaphore, #tpu.memory_space<semaphore_mem>>) src(%dma_wait3A_34 : memref<24x128xf32, #tpu.memory_space<hbm>>) dst(%dma_wait3A_31 : memref<24x128xf32, #tpu.memory_space<vmem_shared>>)
        tpu.yield
      }) : () -> ()
    } else {
    }
    %barrier3A = arith.constant 0 : index
    tpu.barrier barrier_id(%barrier3A)
    %mul3A_5 = arith.constant 80 : i32
    %mul3A_6 = arith.muli %add3A, %mul3A_5 : i32
    "tpu.region"() ({
      %run_scoped3A = tpu.sem_alloc : memref<!tpu.dma_semaphore, #tpu.memory_space<semaphore_mem>>
      %dma_start3A = arith.constant 0 : i32
      %dma_start3A_25 = tpu.memref_slice %arg3[%mul3A_6, %dma_start3A] : memref<2560x128xi32, #tpu.memory_space<hbm>> -> memref<80x128xi32, #tpu.memory_space<hbm>>
      %dma_start3A_26 = arith.constant 0 : i32
      %dma_start3A_27 = tpu.memref_slice %arg3[%mul3A_6, %dma_start3A_26] : memref<2560x128xi32, #tpu.memory_space<hbm>> -> memref<80x128xi32, #tpu.memory_space<hbm>>
      tpu.enqueue_dma source(%dma_start3A_27 : memref<80x128xi32, #tpu.memory_space<hbm>>) target(%arg9 : memref<80x128xi32, #tpu.memory_space<vmem>>) target_semaphore(%run_scoped3A : memref<!tpu.dma_semaphore, #tpu.memory_space<semaphore_mem>>)
      %dma_wait3A = arith.constant 0 : i32
      %dma_wait3A_28 = tpu.memref_slice %arg3[%mul3A_6, %dma_wait3A] : memref<2560x128xi32, #tpu.memory_space<hbm>> -> memref<80x128xi32, #tpu.memory_space<hbm>>
      %dma_wait3A_29 = arith.constant 0 : i32
      %dma_wait3A_30 = tpu.memref_slice %arg3[%mul3A_6, %dma_wait3A_29] : memref<2560x128xi32, #tpu.memory_space<hbm>> -> memref<80x128xi32, #tpu.memory_space<hbm>>
      tpu.wait_dma2 semaphore(%run_scoped3A : memref<!tpu.dma_semaphore, #tpu.memory_space<semaphore_mem>>) src(%dma_wait3A_30 : memref<80x128xi32, #tpu.memory_space<hbm>>) dst(%arg9 : memref<80x128xi32, #tpu.memory_space<vmem>>)
      tpu.yield
    }) : () -> ()
    %mul3A_7 = arith.constant 80 : i32
    %mul3A_8 = arith.muli %arg1, %mul3A_7 : i32
    "tpu.region"() ({
      %run_scoped3A = tpu.sem_alloc : memref<!tpu.dma_semaphore, #tpu.memory_space<semaphore_mem>>
      %dma_start3A = arith.constant 0 : i32
      %dma_start3A_25 = tpu.memref_slice %arg4[%mul3A_8, %dma_start3A] : memref<1280x128xi32, #tpu.memory_space<hbm>> -> memref<80x128xi32, #tpu.memory_space<hbm>>
      %dma_start3A_26 = arith.constant 0 : i32
      %dma_start3A_27 = tpu.memref_slice %arg4[%mul3A_8, %dma_start3A_26] : memref<1280x128xi32, #tpu.memory_space<hbm>> -> memref<80x128xi32, #tpu.memory_space<hbm>>
      tpu.enqueue_dma source(%dma_start3A_27 : memref<80x128xi32, #tpu.memory_space<hbm>>) target(%arg10 : memref<80x128xi32, #tpu.memory_space<vmem>>) target_semaphore(%run_scoped3A : memref<!tpu.dma_semaphore, #tpu.memory_space<semaphore_mem>>)
      %dma_wait3A = arith.constant 0 : i32
      %dma_wait3A_28 = tpu.memref_slice %arg4[%mul3A_8, %dma_wait3A] : memref<1280x128xi32, #tpu.memory_space<hbm>> -> memref<80x128xi32, #tpu.memory_space<hbm>>
      %dma_wait3A_29 = arith.constant 0 : i32
      %dma_wait3A_30 = tpu.memref_slice %arg4[%mul3A_8, %dma_wait3A_29] : memref<1280x128xi32, #tpu.memory_space<hbm>> -> memref<80x128xi32, #tpu.memory_space<hbm>>
      tpu.wait_dma2 semaphore(%run_scoped3A : memref<!tpu.dma_semaphore, #tpu.memory_space<semaphore_mem>>) src(%dma_wait3A_30 : memref<80x128xi32, #tpu.memory_space<hbm>>) dst(%arg10 : memref<80x128xi32, #tpu.memory_space<vmem>>)
      tpu.yield
    }) : () -> ()
    %scan3A = arith.constant 0 : i32
    %scan3A_9 = arith.constant 0 : i32
    %scan3A_10 = arith.constant 80 : i32
    %scan3A_11 = arith.addi %scan3A_9, %scan3A_10 : i32
    %scan3A_12 = arith.constant 1 : i32
    scf.for %scan3A_25 = %scan3A_9 to %scan3A_11 step %scan3A_12  : i32 {
      "tpu.region"() ({
        %run_scoped3A = tpu.sem_alloc : memref<!tpu.dma_semaphore, #tpu.memory_space<semaphore_mem>>
        %dma_start3A = arith.constant 0 : i32
        %dma_start3A_26 = tpu.memref_slice %arg9[%scan3A_25, %dma_start3A] : memref<80x128xi32, #tpu.memory_space<vmem>> -> memref<1x128xi32, #tpu.memory_space<vmem>>
        %dma_start3A_27 = tpu.memref_squeeze %dma_start3A_26 : memref<1x128xi32, #tpu.memory_space<vmem>> -> memref<128xi32, #tpu.memory_space<vmem>>
        %dma_start3A_28 = arith.constant 0 : i32
        %dma_start3A_29 = arith.constant 0 : i32
        %dma_start3A_30 = tpu.memref_slice %arg2[%dma_start3A_28, %dma_start3A_29] : memref<20000x128xf32, #tpu.memory_space<hbm>> -> memref<20000x128xf32, #tpu.memory_space<hbm>>
        tpu.enqueue_indirect_dma source(%dma_start3A_30 : memref<20000x128xf32, #tpu.memory_space<hbm>>) target(%arg11 : memref<128x128xf32, #tpu.memory_space<vmem>>) offsets(%dma_start3A_27 : memref<128xi32, #tpu.memory_space<vmem>>) semaphore(%run_scoped3A : memref<!tpu.dma_semaphore, #tpu.memory_space<semaphore_mem>>)
        %dma_wait3A = arith.constant 0 : i32
        %dma_wait3A_31 = tpu.memref_slice %arg9[%scan3A_25, %dma_wait3A] : memref<80x128xi32, #tpu.memory_space<vmem>> -> memref<1x128xi32, #tpu.memory_space<vmem>>
        %dma_wait3A_32 = tpu.memref_squeeze %dma_wait3A_31 : memref<1x128xi32, #tpu.memory_space<vmem>> -> memref<128xi32, #tpu.memory_space<vmem>>
        %dma_wait3A_33 = arith.constant 0 : i32
        %dma_wait3A_34 = arith.constant 0 : i32
        %dma_wait3A_35 = tpu.memref_slice %arg2[%dma_wait3A_33, %dma_wait3A_34] : memref<20000x128xf32, #tpu.memory_space<hbm>> -> memref<20000x128xf32, #tpu.memory_space<hbm>>
        tpu.wait_indirect_dma semaphore(%run_scoped3A : memref<!tpu.dma_semaphore, #tpu.memory_space<semaphore_mem>>) src(%dma_wait3A_35 : memref<20000x128xf32, #tpu.memory_space<hbm>>) dst(%arg11 : memref<128x128xf32, #tpu.memory_space<vmem>>)
        tpu.yield
      }) : () -> ()
      "tpu.region"() ({
        %run_scoped3A = tpu.sem_alloc : memref<!tpu.dma_semaphore, #tpu.memory_space<semaphore_mem>>
        %dma_start3A = arith.constant 0 : i32
        %dma_start3A_26 = tpu.memref_slice %arg10[%scan3A_25, %dma_start3A] : memref<80x128xi32, #tpu.memory_space<vmem>> -> memref<1x128xi32, #tpu.memory_space<vmem>>
        %dma_start3A_27 = tpu.memref_squeeze %dma_start3A_26 : memref<1x128xi32, #tpu.memory_space<vmem>> -> memref<128xi32, #tpu.memory_space<vmem>>
        %dma_start3A_28 = arith.constant 0 : i32
        %dma_start3A_29 = arith.constant 0 : i32
        %dma_start3A_30 = tpu.memref_slice %arg12[%dma_start3A_28, %dma_start3A_29] : memref<10008x128xf32, #tpu.memory_space<vmem_shared>> -> memref<10008x128xf32, #tpu.memory_space<vmem_shared>>
        tpu.enqueue_indirect_dma source(%arg11 : memref<128x128xf32, #tpu.memory_space<vmem>>) target(%dma_start3A_30 : memref<10008x128xf32, #tpu.memory_space<vmem_shared>>) offsets(%dma_start3A_27 : memref<128xi32, #tpu.memory_space<vmem>>) semaphore(%run_scoped3A : memref<!tpu.dma_semaphore, #tpu.memory_space<semaphore_mem>>) {add = true}
        %dma_wait3A = arith.constant 0 : i32
        %dma_wait3A_31 = tpu.memref_slice %arg10[%scan3A_25, %dma_wait3A] : memref<80x128xi32, #tpu.memory_space<vmem>> -> memref<1x128xi32, #tpu.memory_space<vmem>>
        %dma_wait3A_32 = tpu.memref_squeeze %dma_wait3A_31 : memref<1x128xi32, #tpu.memory_space<vmem>> -> memref<128xi32, #tpu.memory_space<vmem>>
        %dma_wait3A_33 = arith.constant 0 : i32
        %dma_wait3A_34 = arith.constant 0 : i32
        %dma_wait3A_35 = tpu.memref_slice %arg12[%dma_wait3A_33, %dma_wait3A_34] : memref<10008x128xf32, #tpu.memory_space<vmem_shared>> -> memref<10008x128xf32, #tpu.memory_space<vmem_shared>>
        tpu.wait_indirect_dma semaphore(%run_scoped3A : memref<!tpu.dma_semaphore, #tpu.memory_space<semaphore_mem>>) src(%arg11 : memref<128x128xf32, #tpu.memory_space<vmem>>) dst(%dma_wait3A_35 : memref<10008x128xf32, #tpu.memory_space<vmem_shared>>)
        tpu.yield
      }) : () -> ()
    }
    %scan3A_13 = arith.constant 80 : i32
    %barrier3A_14 = arith.constant 0 : index
    tpu.barrier barrier_id(%barrier3A_14)
    %mul3A_15 = arith.constant 624 : i32
    %mul3A_16 = arith.muli %arg1, %mul3A_15 : i32
    %mul3A_17 = arith.constant 10000 : i32
    %mul3A_18 = arith.muli %arg0, %mul3A_17 : i32
    %add3A_19 = arith.addi %mul3A_18, %mul3A_16 : i32
    "tpu.region"() ({
      %run_scoped3A = tpu.sem_alloc : memref<!tpu.dma_semaphore, #tpu.memory_space<semaphore_mem>>
      %dma_start3A = arith.constant 0 : i32
      %dma_start3A_25 = tpu.memref_slice %arg8[%add3A_19, %dma_start3A] : memref<20000x128xf32, #tpu.memory_space<hbm>> -> memref<624x128xf32, #tpu.memory_space<hbm>>
      %dma_start3A_26 = arith.constant 0 : i32
      %dma_start3A_27 = tpu.memref_slice %arg12[%mul3A_16, %dma_start3A_26] : memref<10008x128xf32, #tpu.memory_space<vmem_shared>> -> memref<624x128xf32, #tpu.memory_space<vmem_shared>>
      tpu.enqueue_dma source(%dma_start3A_27 : memref<624x128xf32, #tpu.memory_space<vmem_shared>>) target(%dma_start3A_25 : memref<624x128xf32, #tpu.memory_space<hbm>>) target_semaphore(%run_scoped3A : memref<!tpu.dma_semaphore, #tpu.memory_space<semaphore_mem>>)
      %dma_wait3A = arith.constant 0 : i32
      %dma_wait3A_28 = tpu.memref_slice %arg8[%add3A_19, %dma_wait3A] : memref<20000x128xf32, #tpu.memory_space<hbm>> -> memref<624x128xf32, #tpu.memory_space<hbm>>
      %dma_wait3A_29 = arith.constant 0 : i32
      %dma_wait3A_30 = tpu.memref_slice %arg12[%mul3A_16, %dma_wait3A_29] : memref<10008x128xf32, #tpu.memory_space<vmem_shared>> -> memref<624x128xf32, #tpu.memory_space<vmem_shared>>
      tpu.wait_dma2 semaphore(%run_scoped3A : memref<!tpu.dma_semaphore, #tpu.memory_space<semaphore_mem>>) src(%dma_wait3A_30 : memref<624x128xf32, #tpu.memory_space<vmem_shared>>) dst(%dma_wait3A_28 : memref<624x128xf32, #tpu.memory_space<hbm>>)
      tpu.yield
    }) : () -> ()
    %eq3A_20 = arith.constant 0 : i32
    %eq3A_21 = arith.cmpi eq, %arg1, %eq3A_20 : i32
    %convert_element_type3A_22 = arith.extui %eq3A_21 : i1 to i32
    %cond3A_23 = arith.constant 0 : i32
    %cond3A_24 = arith.cmpi ne, %convert_element_type3A_22, %cond3A_23 : i32
    scf.if %cond3A_24 {
      %mul3A_25 = arith.constant 10000 : i32
      %mul3A_26 = arith.muli %arg0, %mul3A_25 : i32
      %add3A_27 = arith.constant 9984 : i32
      %add3A_28 = arith.addi %mul3A_26, %add3A_27 : i32
      "tpu.region"() ({
        %run_scoped3A = tpu.sem_alloc : memref<!tpu.dma_semaphore, #tpu.memory_space<semaphore_mem>>
        %dma_start3A = arith.constant 0 : i32
        %dma_start3A_29 = tpu.memref_slice %arg8[%add3A_28, %dma_start3A] : memref<20000x128xf32, #tpu.memory_space<hbm>> -> memref<16x128xf32, #tpu.memory_space<hbm>>
        %dma_start3A_30 = arith.constant 9984 : i32
        %dma_start3A_31 = arith.constant 0 : i32
        %dma_start3A_32 = tpu.memref_slice %arg12[%dma_start3A_30, %dma_start3A_31] : memref<10008x128xf32, #tpu.memory_space<vmem_shared>> -> memref<16x128xf32, #tpu.memory_space<vmem_shared>>
        tpu.enqueue_dma source(%dma_start3A_32 : memref<16x128xf32, #tpu.memory_space<vmem_shared>>) target(%dma_start3A_29 : memref<16x128xf32, #tpu.memory_space<hbm>>) target_semaphore(%run_scoped3A : memref<!tpu.dma_semaphore, #tpu.memory_space<semaphore_mem>>)
        %dma_wait3A = arith.constant 0 : i32
        %dma_wait3A_33 = tpu.memref_slice %arg8[%add3A_28, %dma_wait3A] : memref<20000x128xf32, #tpu.memory_space<hbm>> -> memref<16x128xf32, #tpu.memory_space<hbm>>
        %dma_wait3A_34 = arith.constant 9984 : i32
        %dma_wait3A_35 = arith.constant 0 : i32
        %dma_wait3A_36 = tpu.memref_slice %arg12[%dma_wait3A_34, %dma_wait3A_35] : memref<10008x128xf32, #tpu.memory_space<vmem_shared>> -> memref<16x128xf32, #tpu.memory_space<vmem_shared>>
        tpu.wait_dma2 semaphore(%run_scoped3A : memref<!tpu.dma_semaphore, #tpu.memory_space<semaphore_mem>>) src(%dma_wait3A_36 : memref<16x128xf32, #tpu.memory_space<vmem_shared>>) dst(%dma_wait3A_33 : memref<16x128xf32, #tpu.memory_space<hbm>>)
        tpu.yield
      }) : () -> ()
    } else {
    }
    return
  }
}

module attributes {stable_mosaic.version = 14 : i64} {
  func.func @_mm_body(%arg0: i32, %arg1: i32, %arg2: memref<1000x256xf32, #tpu.memory_space<vmem>>, %arg3: memref<256x128xf32, #tpu.memory_space<vmem>>, %arg4: memref<1x1x128xf32, #tpu.memory_space<vmem>>, %arg5: memref<1000x128xf32, #tpu.memory_space<vmem>>) attributes {dimension_semantics = [#tpu.dimension_semantics<arbitrary>, #tpu.dimension_semantics<arbitrary>], iteration_bounds = array<i64: 2, 10>, scalar_prefetch = 0 : i64, scratch_operands = 0 : i64, tpu.core_type = #tpu.core_type<tc>, window_params = [{transform_indices = @transform_0, window_bounds = array<i64: 1000, 256>}, {transform_indices = @transform_1, window_bounds = array<i64: 256, 128>}, {transform_indices = @transform_2, window_bounds = array<i64: 1, 1, 128>}, {transform_indices = @transform_3, window_bounds = array<i64: 1000, 128>}]} {
    %get3A = arith.constant 0 : index
    %get3A_0 = arith.constant 0 : index
    %get3A_1 = vector.load %arg2[%get3A, %get3A_0] : memref<1000x256xf32, #tpu.memory_space<vmem>>, vector<1000x256xf32>
    %get3A_2 = arith.constant 0 : index
    %get3A_3 = arith.constant 0 : index
    %get3A_4 = vector.load %arg3[%get3A_2, %get3A_3] : memref<256x128xf32, #tpu.memory_space<vmem>>, vector<256x128xf32>
    %dot_general3A = arith.constant dense<0.000000e+00> : vector<1000x128xf32>
    %dot_general3A_5 = tpu.matmul %get3A_1, %get3A_4, %dot_general3A {dimension_numbers = #tpu.dot_dimension_numbers<[1], [0], [0], [1], [0, 0, 1, 1], [], []>, transpose_lhs_hint = false} : vector<1000x256xf32>, vector<256x128xf32>, vector<1000x128xf32> -> vector<1000x128xf32>
    %get3A_6 = arith.constant 0 : index
    %get3A_7 = arith.constant 0 : index
    %get3A_8 = arith.constant 0 : index
    %get3A_9 = vector.load %arg4[%get3A_6, %get3A_7, %get3A_8] : memref<1x1x128xf32, #tpu.memory_space<vmem>>, vector<1x1x128xf32>
    %get3A_10 = vector.shape_cast %get3A_9 : vector<1x1x128xf32> to vector<1x128xf32>
    %add3A = vector.broadcast %get3A_10 : vector<1x128xf32> to vector<1000x128xf32>
    %add3A_11 = arith.addf %dot_general3A_5, %add3A : vector<1000x128xf32>
    %swap3A = arith.constant 0 : index
    %swap3A_12 = arith.constant 0 : index
    %swap3A_13 = vector.load %arg5[%swap3A, %swap3A_12] : memref<1000x128xf32, #tpu.memory_space<vmem>>, vector<1000x128xf32>
    tpu.vector_store %arg5[%swap3A, %swap3A_12], %add3A_11 {strides = array<i32>} : memref<1000x128xf32, #tpu.memory_space<vmem>>, vector<1000x128xf32>,
    return
  }
  func.func @transform_0(%arg0: i32, %arg1: i32) -> (i32, i32) {
    %c0_i32 = arith.constant 0 : i32
    %c0_i32_0 = arith.constant 0 : i32
    return %arg1, %c0_i32 : i32, i32
  }
  func.func @transform_1(%arg0: i32, %arg1: i32) -> (i32, i32) {
    %c0_i32 = arith.constant 0 : i32
    %c0_i32_0 = arith.constant 0 : i32
    return %c0_i32, %arg0 : i32, i32
  }
  func.func @transform_2(%arg0: i32, %arg1: i32) -> (i32, i32, i32) {
    %c0_i32 = arith.constant 0 : i32
    %c0_i32_0 = arith.constant 0 : i32
    %c0_i32_1 = arith.constant 0 : i32
    return %arg0, %c0_i32, %c0_i32_0 : i32, i32, i32
  }
  func.func @transform_3(%arg0: i32, %arg1: i32) -> (i32, i32) {
    %mul3A = arith.constant 10 : i32
    %mul3A_0 = arith.muli %arg0, %mul3A : i32
    %add3A = arith.addi %mul3A_0, %arg1 : i32
    %c0_i32 = arith.constant 0 : i32
    %c0_i32_1 = arith.constant 0 : i32
    return %add3A, %c0_i32 : i32, i32
  }
}

module attributes {stable_mosaic.version = 14 : i64} {
  func.func @_norm_mm_body(%arg0: i32, %arg1: i32, %arg2: memref<1000x128xf32, #tpu.memory_space<vmem>>, %arg3: memref<1000x128xf32, #tpu.memory_space<vmem>>, %arg4: memref<1000x128xf32, #tpu.memory_space<vmem>>, %arg5: memref<1000x128xf32, #tpu.memory_space<vmem>>, %arg6: memref<256x128xf32, #tpu.memory_space<vmem>>, %arg7: memref<1x1x128xf32, #tpu.memory_space<vmem>>, %arg8: memref<1000x128xf32, #tpu.memory_space<vmem>>) attributes {dimension_semantics = [#tpu.dimension_semantics<arbitrary>, #tpu.dimension_semantics<arbitrary>], iteration_bounds = array<i64: 2, 10>, scalar_prefetch = 0 : i64, scratch_operands = 0 : i64, tpu.core_type = #tpu.core_type<tc>, window_params = [{transform_indices = @transform_0, window_bounds = array<i64: 1000, 128>}, {transform_indices = @transform_1, window_bounds = array<i64: 1000, 128>}, {transform_indices = @transform_2, window_bounds = array<i64: 1000, 128>}, {transform_indices = @transform_3, window_bounds = array<i64: 1000, 128>}, {transform_indices = @transform_4, window_bounds = array<i64: 256, 128>}, {transform_indices = @transform_5, window_bounds = array<i64: 1, 1, 128>}, {transform_indices = @transform_6, window_bounds = array<i64: 1000, 128>}]} {
    %get3A = arith.constant 0 : index
    %get3A_0 = arith.constant 0 : index
    %get3A_1 = vector.load %arg4[%get3A, %get3A_0] : memref<1000x128xf32, #tpu.memory_space<vmem>>, vector<1000x1xf32>
    %get3A_2 = arith.constant 0 : index
    %get3A_3 = arith.constant 0 : index
    %get3A_4 = vector.load %arg5[%get3A_2, %get3A_3] : memref<1000x128xf32, #tpu.memory_space<vmem>>, vector<1000x1xf32>
    %add3A = arith.addf %get3A_1, %get3A_4 : vector<1000x1xf32>
    %max3A = arith.constant 1.000000e+00 : f32
    %max3A_5 = vector.broadcast %max3A : f32 to vector<1000x1xf32>
    %max3A_6 = arith.maximumf %add3A, %max3A_5 : vector<1000x1xf32>
    %div3A = arith.constant 1.000000e+00 : f32
    %div3A_7 = vector.broadcast %div3A : f32 to vector<1000x1xf32>
    %div3A_8 = arith.divf %div3A_7, %max3A_6 : vector<1000x1xf32>
    %get3A_9 = arith.constant 0 : index
    %get3A_10 = arith.constant 0 : index
    %get3A_11 = vector.load %arg2[%get3A_9, %get3A_10] : memref<1000x128xf32, #tpu.memory_space<vmem>>, vector<1000x128xf32>
    %sub3A = vector.broadcast %get3A_1 : vector<1000x1xf32> to vector<1000x128xf32>
    %sub3A_12 = arith.subf %get3A_11, %sub3A : vector<1000x128xf32>
    %mul3A = vector.broadcast %div3A_8 : vector<1000x1xf32> to vector<1000x128xf32>
    %mul3A_13 = arith.mulf %sub3A_12, %mul3A : vector<1000x128xf32>
    %max3A_14 = arith.constant 0.000000e+00 : f32
    %max3A_15 = vector.broadcast %max3A_14 : f32 to vector<1000x128xf32>
    %max3A_16 = arith.maximumf %mul3A_13, %max3A_15 : vector<1000x128xf32>
    %get3A_17 = arith.constant 0 : index
    %get3A_18 = arith.constant 0 : index
    %get3A_19 = vector.load %arg3[%get3A_17, %get3A_18] : memref<1000x128xf32, #tpu.memory_space<vmem>>, vector<1000x128xf32>
    %sub3A_20 = vector.broadcast %get3A_4 : vector<1000x1xf32> to vector<1000x128xf32>
    %sub3A_21 = arith.subf %get3A_19, %sub3A_20 : vector<1000x128xf32>
    %mul3A_22 = vector.broadcast %div3A_8 : vector<1000x1xf32> to vector<1000x128xf32>
    %mul3A_23 = arith.mulf %sub3A_21, %mul3A_22 : vector<1000x128xf32>
    %max3A_24 = arith.constant 0.000000e+00 : f32
    %max3A_25 = vector.broadcast %max3A_24 : f32 to vector<1000x128xf32>
    %max3A_26 = arith.maximumf %mul3A_23, %max3A_25 : vector<1000x128xf32>
    %get3A_27 = arith.constant 0 : index
    %get3A_28 = arith.constant 0 : index
    %get3A_29 = vector.load %arg6[%get3A_27, %get3A_28] : memref<256x128xf32, #tpu.memory_space<vmem>>, vector<128x128xf32>
    %dot_general3A = arith.constant dense<0.000000e+00> : vector<1000x128xf32>
    %dot_general3A_30 = tpu.matmul %max3A_16, %get3A_29, %dot_general3A {dimension_numbers = #tpu.dot_dimension_numbers<[1], [0], [0], [1], [0, 0, 1, 1], [], []>, transpose_lhs_hint = false} : vector<1000x128xf32>, vector<128x128xf32>, vector<1000x128xf32> -> vector<1000x128xf32>
    %get3A_31 = arith.constant 128 : index
    %get3A_32 = arith.constant 0 : index
    %get3A_33 = vector.load %arg6[%get3A_31, %get3A_32] : memref<256x128xf32, #tpu.memory_space<vmem>>, vector<128x128xf32>
    %dot_general3A_34 = arith.constant dense<0.000000e+00> : vector<1000x128xf32>
    %dot_general3A_35 = tpu.matmul %max3A_26, %get3A_33, %dot_general3A_34 {dimension_numbers = #tpu.dot_dimension_numbers<[1], [0], [0], [1], [0, 0, 1, 1], [], []>, transpose_lhs_hint = false} : vector<1000x128xf32>, vector<128x128xf32>, vector<1000x128xf32> -> vector<1000x128xf32>
    %add3A_36 = arith.addf %dot_general3A_30, %dot_general3A_35 : vector<1000x128xf32>
    %get3A_37 = arith.constant 0 : index
    %get3A_38 = arith.constant 0 : index
    %get3A_39 = arith.constant 0 : index
    %get3A_40 = vector.load %arg7[%get3A_37, %get3A_38, %get3A_39] : memref<1x1x128xf32, #tpu.memory_space<vmem>>, vector<1x1x128xf32>
    %get3A_41 = vector.shape_cast %get3A_40 : vector<1x1x128xf32> to vector<1x128xf32>
    %add3A_42 = vector.broadcast %get3A_41 : vector<1x128xf32> to vector<1000x128xf32>
    %add3A_43 = arith.addf %add3A_36, %add3A_42 : vector<1000x128xf32>
    %swap3A = arith.constant 0 : index
    %swap3A_44 = arith.constant 0 : index
    %swap3A_45 = vector.load %arg8[%swap3A, %swap3A_44] : memref<1000x128xf32, #tpu.memory_space<vmem>>, vector<1000x128xf32>
    tpu.vector_store %arg8[%swap3A, %swap3A_44], %add3A_43 {strides = array<i32>} : memref<1000x128xf32, #tpu.memory_space<vmem>>, vector<1000x128xf32>,
    return
  }
  func.func @transform_0(%arg0: i32, %arg1: i32) -> (i32, i32) {
    %c0_i32 = arith.constant 0 : i32
    %c0_i32_0 = arith.constant 0 : i32
    return %arg1, %c0_i32 : i32, i32
  }
  func.func @transform_1(%arg0: i32, %arg1: i32) -> (i32, i32) {
    %add3A = arith.constant 10 : i32
    %add3A_0 = arith.addi %add3A, %arg1 : i32
    %c0_i32 = arith.constant 0 : i32
    %c0_i32_1 = arith.constant 0 : i32
    return %add3A_0, %c0_i32 : i32, i32
  }
  func.func @transform_2(%arg0: i32, %arg1: i32) -> (i32, i32) {
    %c0_i32 = arith.constant 0 : i32
    %c0_i32_0 = arith.constant 0 : i32
    return %arg1, %c0_i32 : i32, i32
  }
  func.func @transform_3(%arg0: i32, %arg1: i32) -> (i32, i32) {
    %add3A = arith.constant 10 : i32
    %add3A_0 = arith.addi %add3A, %arg1 : i32
    %c0_i32 = arith.constant 0 : i32
    %c0_i32_1 = arith.constant 0 : i32
    return %add3A_0, %c0_i32 : i32, i32
  }
  func.func @transform_4(%arg0: i32, %arg1: i32) -> (i32, i32) {
    %c0_i32 = arith.constant 0 : i32
    %c0_i32_0 = arith.constant 0 : i32
    return %c0_i32, %arg0 : i32, i32
  }
  func.func @transform_5(%arg0: i32, %arg1: i32) -> (i32, i32, i32) {
    %c0_i32 = arith.constant 0 : i32
    %c0_i32_0 = arith.constant 0 : i32
    %c0_i32_1 = arith.constant 0 : i32
    return %arg0, %c0_i32, %c0_i32_0 : i32, i32, i32
  }
  func.func @transform_6(%arg0: i32, %arg1: i32) -> (i32, i32) {
    %mul3A = arith.constant 10 : i32
    %mul3A_0 = arith.muli %arg0, %mul3A : i32
    %add3A = arith.addi %mul3A_0, %arg1 : i32
    %c0_i32 = arith.constant 0 : i32
    %c0_i32_1 = arith.constant 0 : i32
    return %add3A, %c0_i32 : i32, i32
  }
}

module attributes {stable_mosaic.version = 14 : i64} {
  func.func @_final_body(%arg0: i32, %arg1: memref<1000x128xf32, #tpu.memory_space<vmem>>, %arg2: memref<1000x128xf32, #tpu.memory_space<vmem>>, %arg3: memref<1000x128xf32, #tpu.memory_space<vmem>>, %arg4: memref<1000x128xf32, #tpu.memory_space<vmem>>, %arg5: memref<1000x256xf32, #tpu.memory_space<vmem>>) attributes {dimension_semantics = [#tpu.dimension_semantics<arbitrary>], iteration_bounds = array<i64: 10>, scalar_prefetch = 0 : i64, scratch_operands = 0 : i64, tpu.core_type = #tpu.core_type<tc>, window_params = [{transform_indices = @transform_0, window_bounds = array<i64: 1000, 128>}, {transform_indices = @transform_1, window_bounds = array<i64: 1000, 128>}, {transform_indices = @transform_2, window_bounds = array<i64: 1000, 128>}, {transform_indices = @transform_3, window_bounds = array<i64: 1000, 128>}, {transform_indices = @transform_4, window_bounds = array<i64: 1000, 256>}]} {
    %get3A = arith.constant 0 : index
    %get3A_0 = arith.constant 0 : index
    %get3A_1 = vector.load %arg3[%get3A, %get3A_0] : memref<1000x128xf32, #tpu.memory_space<vmem>>, vector<1000x1xf32>
    %get3A_2 = arith.constant 0 : index
    %get3A_3 = arith.constant 0 : index
    %get3A_4 = vector.load %arg4[%get3A_2, %get3A_3] : memref<1000x128xf32, #tpu.memory_space<vmem>>, vector<1000x1xf32>
    %add3A = arith.addf %get3A_1, %get3A_4 : vector<1000x1xf32>
    %max3A = arith.constant 1.000000e+00 : f32
    %max3A_5 = vector.broadcast %max3A : f32 to vector<1000x1xf32>
    %max3A_6 = arith.maximumf %add3A, %max3A_5 : vector<1000x1xf32>
    %div3A = arith.constant 1.000000e+00 : f32
    %div3A_7 = vector.broadcast %div3A : f32 to vector<1000x1xf32>
    %div3A_8 = arith.divf %div3A_7, %max3A_6 : vector<1000x1xf32>
    %get3A_9 = arith.constant 0 : index
    %get3A_10 = arith.constant 0 : index
    %get3A_11 = vector.load %arg1[%get3A_9, %get3A_10] : memref<1000x128xf32, #tpu.memory_space<vmem>>, vector<1000x128xf32>
    %mul3A = vector.broadcast %div3A_8 : vector<1000x1xf32> to vector<1000x128xf32>
    %mul3A_12 = arith.mulf %get3A_11, %mul3A : vector<1000x128xf32>
    %swap3A = arith.constant 0 : index
    %swap3A_13 = arith.constant 0 : index
    %swap3A_14 = vector.load %arg5[%swap3A, %swap3A_13] : memref<1000x256xf32, #tpu.memory_space<vmem>>, vector<1000x128xf32>
    tpu.vector_store %arg5[%swap3A, %swap3A_13], %mul3A_12 {strides = array<i32>} : memref<1000x256xf32, #tpu.memory_space<vmem>>, vector<1000x128xf32>,
    %get3A_15 = arith.constant 0 : index
    %get3A_16 = arith.constant 0 : index
    %get3A_17 = vector.load %arg2[%get3A_15, %get3A_16] : memref<1000x128xf32, #tpu.memory_space<vmem>>, vector<1000x128xf32>
    %mul3A_18 = vector.broadcast %div3A_8 : vector<1000x1xf32> to vector<1000x128xf32>
    %mul3A_19 = arith.mulf %get3A_17, %mul3A_18 : vector<1000x128xf32>
    %swap3A_20 = arith.constant 0 : index
    %swap3A_21 = arith.constant 128 : index
    %swap3A_22 = vector.load %arg5[%swap3A_20, %swap3A_21] : memref<1000x256xf32, #tpu.memory_space<vmem>>, vector<1000x128xf32>
    tpu.vector_store %arg5[%swap3A_20, %swap3A_21], %mul3A_19 {strides = array<i32>} : memref<1000x256xf32, #tpu.memory_space<vmem>>, vector<1000x128xf32>,
    return
  }
  func.func @transform_0(%arg0: i32) -> (i32, i32) {
    %c0_i32 = arith.constant 0 : i32
    %c0_i32_0 = arith.constant 0 : i32
    return %arg0, %c0_i32 : i32, i32
  }
  func.func @transform_1(%arg0: i32) -> (i32, i32) {
    %add3A = arith.constant 10 : i32
    %add3A_0 = arith.addi %add3A, %arg0 : i32
    %c0_i32 = arith.constant 0 : i32
    %c0_i32_1 = arith.constant 0 : i32
    return %add3A_0, %c0_i32 : i32, i32
  }
  func.func @transform_2(%arg0: i32) -> (i32, i32) {
    %c0_i32 = arith.constant 0 : i32
    %c0_i32_0 = arith.constant 0 : i32
    return %arg0, %c0_i32 : i32, i32
  }
  func.func @transform_3(%arg0: i32) -> (i32, i32) {
    %add3A = arith.constant 10 : i32
    %add3A_0 = arith.addi %add3A, %arg0 : i32
    %c0_i32 = arith.constant 0 : i32
    %c0_i32_1 = arith.constant 0 : i32
    return %add3A_0, %c0_i32 : i32, i32
  }
  func.func @transform_4(%arg0: i32) -> (i32, i32) {
    %c0_i32 = arith.constant 0 : i32
    %c0_i32_0 = arith.constant 0 : i32
    return %arg0, %c0_i32 : i32, i32
  }
}

</mosaic_0001>

<sc_bundles>
// kernel: kernel.10.cloned.1.call-start
scs
__scs_entry_jumppad:
0x0: {  	(pc) =	sbr.rel $0x88, $3  }
0x1: {  	(tag) =	ssettag $0x0;
	lr =	simm.s32 $0x1  }
0x2: {  	[smem:$0x3F9B] =	sst lr;
	_ =	strace $0xD0000000  }
0x3: {  	_ = 	snop  }
0x4: {  	_ = 	snop  }
0x5: {  	_ = 	snop  }
0x6: {  	_ = 	snop  }
0x7: {  	_ = 	snop  }
__scs_overlays_trampoline_lowered:
0x8: {  	[smem:$0x3FAA] =	sst s0  }
0x9: {  	[smem:$0x3FAB] =	sst s1  }
0xa: {  	[smem:$0x3FAC] =	sst s2  }
0xb: {  	[smem:$0x3FAD] =	sst s3  }
0xc: {  	[smem:$0x3FAE] =	sst s4  }
0xd: {  	[smem:$0x3FAF] =	sst s5  }
0xe: {  	[smem:$0x3FB0] =	sst s6  }
0xf: {  	[smem:$0x3FB1] =	sst s7  }
0x10: {  	[smem:$0x3FB2] =	sst s8  }
0x11: {  	[smem:$0x3FB3] =	sst s9;
	s0 =	simm.s32 @!p0 $0x0  }
0x12: {  	s1 =	sld [smem:$0x3F99];
	s0 =	simm.s32 @p0 $0x1  }
0x13: {  	[smem:$0x3FB4] =	sst s0;
	s0 =	simm.s32 @!p1 $0x0  }
0x14: {  	s2 =	sld [smem:$0x3F98];
	s0 =	simm.s32 @p1 $0x1  }
0x15: {  	[smem:$0x3FB5] =	sst s0;
	s0 =	simm.s32 @!p2 $0x0  }
0x16: {  	s3 =	sld [smem:$0x3FDB];
	s0 =	simm.s32 @p2 $0x1  }
0x17: {  	s4 =	simm.s32 $0x1BF5;
	[smem:$0x3FB7] =	sst s0  }
0x18: {  	s0 =	sld [smem:$0x3F9A];
	_ =	swait.ge [sflag:s4], $0x0  }
0x19: {  	s7 =	sld [smem:$0x3F9B]  }
0x1a: {  	s8 =	sadd.s32 $0xFFFFE003, lr  }
0x1b: {  	s9 =	sadd.s32 $0xFFFFFEF7, lr;
	s5 =	simm.s32 $0xFFFFFFFF;
	p2 =	slt.u32 s8, $0xFFFFF086  }
0x1c: {  	p1 =	slt.u32 s9, $0xF7A;
	s5 =	simm.s32 @!p2 $0x0  }
0x1d: {  	s5 =	simm.s32 @p1 $0x1;
	p0 =	seq.s32 s7, s2  }
0x1e: {  	s7 =	smul.u32 @!p0 $0xF7A, s2;
	p2 =	seq.s32 @!p0 s5, $0x0  }
0x1f: {  	s9 =	smul.u32 $0xF7A, s1;
	s8 =	simm.s32 @!p0 $0x1BF5;
	p2 =	por !p2, p0  }
0x20: {  	[sflag:s8] =	ssyncset.s32 @!p0 $0xFFFFF086;
	s6 =	sadd.s32 @!p0 s3, s7;
	s7 =	simm.s32 @!p0 $0x108  }
0x21: {  	s3 =	sadd.s32 s3, s9;
	s6 =	sadd.s32 @!p0 $0x88, s6;
	s7 =	simm.s32 @p2 $0x1082  }
0x22: {  	[simem:s7], [sflag:s8] =	dma.local @!p0 [hbm:s6], $0xF7A  }
0x23: {  	s9 =	sor.u32 $0xD0000000, s2;
	s6 =	simm.s32 $0x108;
	_ =	swait.ge @!p0 [sflag:s8], $0x0  }
0x24: {  	s3 =	sadd.s32 $0x88, s3;
	s6 =	simm.s32 @!p1 $0x1082;
	[sflag:s4] =	ssyncset.s32 $0xFFFFF086  }
0x25: {  	[simem:s6], [sflag:s4] =	dma.local [hbm:s3], $0xF7A  }
0x26: {  	[smem:$0x3F9B] =	sst s1;
	(tag) =	ssettag s2;
	_ =	strace s9  }
0x27: {  	s1 =	sld [smem:$0x3FAB]  }
0x28: {  	s2 =	sld [smem:$0x3FAC]  }
0x29: {  	s4 =	sld [smem:$0x3FAE]  }
0x2a: {  	p0 =	seq.s32 s5, $0x0;
	s5 =	sld [smem:$0x3FAF]  }
0x2b: {  	s6 =	sld [smem:$0x3FB0]  }
0x2c: {  	s7 =	sld [smem:$0x3FB1]  }
0x2d: {  	s3 =	simm.s32 $0x108;
	s8 =	sld [smem:$0x3FB2]  }
0x2e: {  	s3 =	simm.s32 @!p0 $0x1082;
	s9 =	sld [smem:$0x3FB3]  }
0x2f: {  	lr =	sadd.s32 s0, s3;
	s0 =	sld [smem:$0x3FAA]  }
0x30: {  	s3 =	sld [smem:$0x3FAD]  }
0x31: {  	[smem:$0x3FB6] =	sst s10  }
0x32: {  	s10 =	sld [smem:$0x3FB4];
	_ =	sdelay $0x3  }
0x33: {  	p0 =	seq.s32 s10, $0x1;
	s10 =	sld [smem:$0x3FB6];
	_ =	sdelay $0x3  }
0x34: {  	[smem:$0x3FB6] =	sst s10  }
0x35: {  	s10 =	sld [smem:$0x3FB5];
	_ =	sdelay $0x3  }
0x36: {  	p1 =	seq.s32 s10, $0x1;
	s10 =	sld [smem:$0x3FB6];
	_ =	sdelay $0x3  }
0x37: {  	[smem:$0x3FB6] =	sst s10  }
0x38: {  	s10 =	sld [smem:$0x3FB7]  }
0x39: {  	_ = 	snop;
	(pc) =	sbr.ind lr, $3  }
0x3a: {  	_ = 	snop  }
0x3b: {  	_ = 	snop  }
0x3c: {  	p2 =	seq.s32 s10, $0x1;
	s10 =	sld [smem:$0x3FB6]  }
0x3d: {  	_ =	shalt  }
0x3e: {  	_ =	shalt  }
0x3f: {  	_ =	shalt  }
0x40: {  	_ =	shalt  }
0x41: {  	_ =	shalt  }
0x42: {  	_ =	shalt  }
0x43: {  	_ =	shalt  }
0x44: {  	_ =	shalt  }
0x45: {  	_ =	shalt  }
0x46: {  	_ =	shalt  }
0x47: {  	_ =	shalt  }
0x48: {  	_ =	shalt  }
0x49: {  	_ =	shalt  }
0x4a: {  	_ =	shalt  }
0x4b: {  	_ =	shalt  }
0x4c: {  	_ =	shalt  }
0x4d: {  	_ =	shalt  }
0x4e: {  	_ =	shalt  }
0x4f: {  	_ =	shalt  }
0x50: {  	_ =	shalt  }
0x51: {  	_ =	shalt  }
0x52: {  	_ =	shalt  }
0x53: {  	_ =	shalt  }
0x54: {  	_ =	shalt  }
0x55: {  	_ =	shalt  }
0x56: {  	_ =	shalt  }
0x57: {  	_ =	shalt  }
0x58: {  	_ =	shalt  }
0x59: {  	_ =	shalt  }
0x5a: {  	_ =	shalt  }
0x5b: {  	_ =	shalt  }
0x5c: {  	_ =	shalt  }
0x5d: {  	_ =	shalt  }
0x5e: {  	_ =	shalt  }
0x5f: {  	_ =	shalt  }
0x60: {  	_ =	shalt  }
0x61: {  	_ =	shalt  }
0x62: {  	_ =	shalt  }
0x63: {  	_ =	shalt  }
0x64: {  	_ =	shalt  }
0x65: {  	_ =	shalt  }
0x66: {  	_ =	shalt  }
0x67: {  	_ =	shalt  }
0x68: {  	_ =	shalt  }
0x69: {  	_ =	shalt  }
0x6a: {  	_ =	shalt  }
0x6b: {  	_ =	shalt  }
0x6c: {  	_ =	shalt  }
0x6d: {  	_ =	shalt  }
0x6e: {  	_ =	shalt  }
0x6f: {  	_ =	shalt  }
0x70: {  	_ =	shalt  }
0x71: {  	_ =	shalt  }
0x72: {  	_ =	shalt  }
0x73: {  	_ =	shalt  }
0x74: {  	_ =	shalt  }
0x75: {  	_ =	shalt  }
0x76: {  	_ =	shalt  }
0x77: {  	_ =	shalt  }
0x78: {  	_ =	shalt  }
0x79: {  	_ =	shalt  }
0x7a: {  	_ =	shalt  }
0x7b: {  	_ =	shalt  }
0x7c: {  	_ =	shalt  }
0x7d: {  	_ =	shalt  }
0x7e: {  	_ =	shalt  }
0x7f: {  	_ =	shalt  }
0x80: {  	_ =	shalt  }
0x81: {  	_ =	shalt  }
0x82: {  	_ =	shalt  }
0x83: {  	_ =	shalt  }
0x84: {  	_ =	shalt  }
0x85: {  	_ =	shalt  }
0x86: {  	_ =	shalt  }
0x87: {  	_ =	shalt  }
.Lfunc_end0:
.L_simem_size_0:
called_computation.1_lowered:
.L_overlay_start_0:
0x88: {  	s2 =	sld [smem:$0x3FD9]  }
0x89: {  	s3 =	sld [smem:$0x3FFE];
	_ =	sdelay $0x1  }
0x8a: {  	s1 =	srdreg.scid  }
0x8b: {  	s0 =	sand.u32 $0x1, s1  }
0x8c: {  	s17 =	sshll.u32 s0, $0xA;
	s2 =	sadd.s32 s3, s2  }
0x8d: {  	s2 =	sadd.s32 s2, s17  }
0x8e: {  	[smem:$0x3FC2] =	sst s2  }
0x8f: {  	_ = 	snop  }
0x90: {  	s2 =	sld [smem:$0x3FD0];
	(tm) =	ssettm $0x1  }
0x91: {  	s18 =	sld [smem:$0x3FFB];
	_ =	sdelay $0x3  }
0x92: {  	_ =	strace s18  }
0x93: {  	s3 =	sld [smem:$0x3FFC];
	_ =	sdelay $0x3  }
0x94: {  	_ =	strace s3  }
0x95: {  	s3 =	sld [smem:$0x3FFD];
	_ =	sdelay $0x3  }
0x96: {  	_ =	strace s3  }
0x97: {  	_ =	strace $0x8FFFFFFF  }
0x98: {  	s19 =	sld [smem:$0x3FDB];
	_ =	sdelay $0x1  }
0x99: {  	s4 =	simm.s32 $_scs_section_size  }
0x9a: {  	s5 =	simm.s32 $_size__tile_overlayer_lowered;
	s6 =	simm.s32 $_tile_overlayer_lowered  }
0x9b: {  	s22 =	simm.s32 $0x1BFF;
	s21 =	sshll.u32 s6, $0x1;
	s3 =	sadd.s32 s4, s19  }
0x9c: {  	s7 =	simm.s32 $0x0;
	s20 =	sshll.u32 s5, $0x1;
	s5 =	sadd.s32 s21, s3  }
0x9d: {  	[timem:s7], [sflag:s22] =	dma.local [hbm:s5], s20  }
0x9e: {  	_ =	swait.ge [sflag:s22], s20  }
0x9f: {  	s4 =	ssub.s32 $0x0, s20;
	[sflag:s22] =	ssyncset.done $0x0  }
0xa0: {  	[sflag:s22] =	ssyncadd.s32 s4;
	_ =	sdelay $0x1  }
0xa1: {  	s23 =	simm.s32 $0x1B8B  }
0xa2: {  	_ =	swait.ge [sflag:s23], $0x1  }
0xa3: {  	[sflag:s23] =	ssyncset.done $0x0  }
0xa4: {  	s25 =	simm.s32 $0x1B8E;
	s24 =	sld [smem:$0x3FFE];
	[sflag:s23] =	ssyncadd.s32 $0xFFFFFFFF  }
0xa5: {  	s26 =	simm.s32 $execute0_lowered;
	[smem:$0x3FD2] =	sst s25  }
0xa6: {  	s5 =	sshll.u32 s26, $0x1;
	_ =	strace $0x80000049;
	[dreg:$0x1] =	wrdreg $0xFFFFFFFF  }
0xa7: {  	s28 =	simm.s32 $_size_execute0_lowered;
	s3 =	sadd.s32 s3, s5;
	[dreg:$0x0] =	wrdreg $0x0  }
0xa8: {  	s5 =	sshll.u32 s28, $0x1;
	[dreg:$0x2] =	wrdreg s3  }
0xa9: {  	[dreg:$0x3] =	wrdreg s5  }
0xaa: {  	[dreg:$0x4] =	wrdreg $0xC0  }
0xab: {  	_ =	task [dreg:s7], $0x5FFFF  }
0xac: {  	[dreg:$0x1] =	wrdreg $0xFFFFFFFF  }
0xad: {  	[dreg:$0x0] =	wrdreg $0x60  }
0xae: {  	[dreg:$0x2] =	wrdreg s2  }
0xaf: {  	[dreg:$0x3] =	wrdreg s24  }
0xb0: {  	[dreg:$0x4] =	wrdreg $0x90000  }
0xb1: {  	[dreg:$0x5] =	wrdreg $0x9  }
0xb2: {  	_ =	task.clear_ibuf [dreg:s7], $0x6FFFF;
	_ =	strace $0x90000049  }
0xb3: {  	s29 =	simm.s32 $0x9;
	_ =	strace $0x8000004B  }
0xb4: {  	_ =	swait.ge [sflag:s29], $0x1  }
0xb5: {  	[sflag:s29] =	ssyncadd.s32 $0xFFFFFFFF  }
0xb6: {  	_ =	strace $0x9000004B  }
0xb7: {  	_ =	sfence  }
0xb8: {  	s30 =	sld [smem:$0x0];
	_ =	sdelay $0x2  }
0xb9: {  	s31 =	sshll.u32 s1, $0xD;
	s1 =	sshrl.u32 s1, $0x2  }
0xba: {  	s3 =	sand.u32 $0x4000, s31;
	s1 =	sadd.s32 s1, s30  }
0xbb: {  	s0 =	sor.u32 s3, s0;
	s1 =	sshll.u32 s1, $0x11  }
0xbc: {  	s0 =	sor.u32 s1, s0  }
0xbd: {  	s0 =	sadd.s32 $0x8F2B, s0  }
0xbe: {  	[sflag:s0] =	ssyncadd.remote.s32 $0x1  }
0xbf: {  	_ =	sfence.sel $0xFFFF  }
0xc0: {  	[dreg:$0x0] =	wrdreg $0xFFFFFFFF;
	(pc) =	sbr.abs _section_cstart, $3  }
0xc1: {  	[dreg:$0x1] =	wrdreg $0xFFFFFFFF  }
0xc2: {  	_ =	task.clear_ibuf [dreg:s7], $0x2FFFF;
	_ =	strace $0x9FFFFFFF  }
0xc3: {  	(tm) =	ssettm $0x7FFFFFFF  }
tec
execute0_lowered:
.L_overlay_start_1:
0x0: {  	(tag) =	ssettag $0x1  }
0x1: {  	s1 =	srdreg.scid;
	s0 =	rddreg [dreg:$0x0]  }
0x2: {  	s7 =	rddreg [dreg:$0x1];
	s12 =	stileid.u32  }
0x3: {  	s2 =	rddreg [dreg:$0x2];
	s5 =	smul.u32 $0x500, s12  }
0x4: {  	s3 =	simm.s32 $0x0;
	s18 =	simm.s32 $0x0;
	s8 =	smul.u32 $0x2700, s12  }
0x5: {  	s6 =	sand.u32 $0x1, s1;
	[smem:$0x7FF] =	sst s3;
	s10 =	smul.u32 $0x4E000, s12  }
0x6: {  	s14 =	sadd.s32 $0x3DE00, s7;
	s28 =	sshll.u32 s12, $0x6;
	s17 =	sadd.s32 $0x138000, s2  }
0x7: {  	p0 =	sne.s32 s12, $0x0;
	s1 =	sshll.u32 s6, $0x4;
	s16 =	smul.u32 $0x138800, s6  }
0x8: {  	s24 =	ssub.s32 $0x2, s6;
	s29 =	smul.u32 $0x27100, s6;
	s6 =	sadd.s32 $0x3DC00, s7  }
0x9: {  	s4 =	sor.u32 s12, s1;
	s1 =	rddreg [dreg:$0x3];
	_ =	strace $0x8000004A  }
0xa: {  	s11 =	sadd.s32 s5, s7;
	s25 =	sadd.s32 s8, s7;
	s13 =	sshrl.u32 s24, $0x1  }
0xb: {  	s26 =	sshrl.u32 s10, $0x2;
	s5 =	sor.u32 $0x1C01, s28;
	s4 =	smul.u32 $0x500, s4  }
0xc: {  	s13 =	ssub.s32 s24, s13;
	s15 =	sadd.s32 s26, s2;
	s16 =	sshrl.u32 s16, $0x3  }
0xd: {  	s30 =	sadd.s32 s8, s29;
	s8 =	sadd.s32 $0x2400, s11;
	s31 =	sadd.s32 s14, s16  }
0xe: {  	s11 =	smax.u32 s13, $0x1;
	s12 =	sshrl.u32 s15, $0x3;
	s13 =	simm.s32 $0x1  }
0xf: {  	s15 =	simm.s32 $0x2800;
	s16 =	simm.s32 $0x80;
	s9 =	sadd.s32 s4, s7  }
0x10: {  	s4 =	sadd.s32 $0x16C00, s25;
	s10 =	sadd.s32 $0x27000, s31;
	s7 =	sadd.s32 $0xC400, s9  }
0x11: {  	s9 =	sadd.s32 s14, s30;
	s14 =	sshrl.u32 @!p0 s17, $0x3;
	s17 =	simm.s32 $0x5000  }
.LBB2_1:
0x12: {  	[spmem:s12], [sflag:s5] =	dma.local [hbm:s4], $0x2700  }
0x13: {  	_ =	swait.ge [sflag:s13], $0x2700  }
0x14: {  	[sflag:s13] =	ssyncset.done $0x0  }
0x15: {  	s19 =	simm.s32 @!p0 $0x1;
	[sflag:s13] =	ssyncadd.s32 $0xFFFFD900  }
0x16: {  	[spmem:s14], [sflag:s5] =	dma.local @!p0 [hbm:s6], $0x180  }
0x17: {  	_ =	swait.ge @!p0 [sflag:s19], $0x180  }
0x18: {  	[sflag:s19] =	ssyncset.done @!p0 $0x0  }
0x19: {  	[sflag:s19] =	ssyncadd.s32 @!p0 $0xFFFFFE80  }
0x1a: {  	[bflag:$0x0] =	sbarrier.arrive $0xFFFF  }
0x1b: {  	[tilespmem:s3], [sflag:$0x1] =	stream.linear.gather [hbm4b:s7+s3], $0x2800, $0x38;
	[tilespmem:$0x1C8C0] =	vst v63  }
0x1c: {  	_ =	swait.ge [sflag:s13], $0x2800  }
0x1d: {  	[sflag:s13] =	ssyncset.done $0x0  }
0x1e: {  	[sflag:s13] =	ssyncadd.s32 $0xFFFFD800  }
0x1f: {  	[tilespmem:s15], [sflag:$0x1] =	stream.linear.gather [hbm4b:s8+s3], $0x2800, $0x38;
	[tilespmem:$0x1C8C0] =	vst v63  }
0x20: {  	_ =	swait.ge [sflag:s13], $0x2800  }
0x21: {  	[sflag:s13] =	ssyncset.done $0x0  }
0x22: {  	s30 =	simm.s32 $0x0;
	[sflag:s13] =	ssyncadd.s32 $0xFFFFD800  }
0x23: {  	[tilespmem:s17], [sflag:$0x1] =	stream.indirect.gather [hbm4b:s0+s16], $0x80, s30, s16, $0xb8;
	[tilespmem:$0x1C8C0] =	vst v63  }
0x24: {  	_ =	swait.ge [sflag:s13], $0x4000  }
0x25: {  	[sflag:s13] =	ssyncset.done $0x0  }
0x26: {  	s31 =	simm.s32 $0x2800;
	[sflag:s13] =	ssyncadd.s32 $0xFFFFC000  }
0x27: {  	[spmem:s2] =	stream.indirect.scatter.add.f32 [tilespmem:s17], [sflag:$0x1], $0x80, s31, s16, $0xb8;
	[tilespmem:$0x1C8C0] =	vst v63  }
0x28: {  	_ =	swait.ge [sflag:s13], $0x4000  }
0x29: {  	s20 =	simm.s32 $0x400;
	s19 =	simm.s32 $0x200;
	[sflag:s13] =	ssyncset.done $0x0  }
.LBB2_2:
0x2a: {  	s21 =	sshra.s32 s19, $0x2  }
0x2b: {  	[sflag:s13] =	ssyncadd.s32 $0xFFFFC000;
	s19 =	smov.u32 s20;
	s22 =	sadd.s32 $0x200, s20  }
0x2c: {  	[tilespmem:s17], [sflag:$0x1] =	stream.indirect.gather [hbm4b:s0+s16], $0x80, s21, s16, $0xb8;
	[tilespmem:$0x1C8C0] =	vst v63  }
0x2d: {  	p1 =	sne.s32 s20, $0x9E00;
	_ =	swait.ge [sflag:s13], $0x4000  }
.Ltmp0:
0x2e: {  	[sflag:s13] =	ssyncset.done $0x0;
	(pc) =	sbr.rel @p1 .LBB2_2-.Ltmp0, $4  }
0x2f: {  	s20 =	sadd.s32 $0x2800, s21;
	[sflag:s13] =	ssyncadd.s32 $0xFFFFC000  }
0x30: {  	[spmem:s2] =	stream.indirect.scatter.add.f32 [tilespmem:s17], [sflag:$0x1], $0x80, s20, s16, $0xb8;
	[tilespmem:$0x1C8C0] =	vst v63  }
0x31: {  	_ =	swait.ge [sflag:s13], $0x4000  }
0x32: {  	s20 =	smov.u32 s22;
	[sflag:s13] =	ssyncset.done $0x0  }
0x33: {  	s19 =	sshra.s32 s19, $0x2;
	[sflag:s13] =	ssyncadd.s32 $0xFFFFC000  }
0x34: {  	[tilespmem:s17], [sflag:$0x1] =	stream.indirect.gather [hbm4b:s0+s16], $0x80, s19, s16, $0xb8;
	[tilespmem:$0x1C8C0] =	vst v63  }
0x35: {  	_ =	swait.ge [sflag:s13], $0x4000  }
0x36: {  	[sflag:s13] =	ssyncset.done $0x0  }
0x37: {  	s19 =	sadd.s32 $0x2800, s19;
	[sflag:s13] =	ssyncadd.s32 $0xFFFFC000  }
0x38: {  	[spmem:s2] =	stream.indirect.scatter.add.f32 [tilespmem:s17], [sflag:$0x1], $0x80, s19, s16, $0xb8;
	[tilespmem:$0x1C8C0] =	vst v63  }
0x39: {  	_ =	swait.ge [sflag:s13], $0x4000  }
0x3a: {  	[sflag:s13] =	ssyncset.done $0x0  }
0x3b: {  	[sflag:s13] =	ssyncadd.s32 $0xFFFFC000  }
0x3c: {  	[bflag:$0x0] =	sbarrier.arrive $0xFFFF  }
0x3d: {  	[hbm:s9], [sflag:s5] =	dma.local [spmem:s12], $0x2700  }
0x3e: {  	s18 =	sadd.s32 $0x1, s18;
	_ =	swait.ge [sflag:s13], $0x2700  }
0x3f: {  	p1 =	sne.s32 s18, s11;
	[sflag:s13] =	ssyncset.done $0x0  }
.Ltmp1:
0x40: {  	s19 =	simm.s32 @!p0 $0x1;
	[sflag:s13] =	ssyncadd.s32 $0xFFFFD900;
	(pc) =	sbr.rel @p1 .LBB2_1-.Ltmp1, $4  }
0x41: {  	[hbm:s10], [sflag:s5] =	dma.local @!p0 [spmem:s14], $0x100  }
0x42: {  	_ =	swait.ge @!p0 [sflag:s19], $0x100  }
0x43: {  	[sflag:s19] =	ssyncset.done @!p0 $0x0  }
0x44: {  	[sflag:s19] =	ssyncadd.s32 @!p0 $0xFFFFFF00  }
0x45: {  	_ =	sfence.sel $0x180000  }
0x46: {  	[bflag:$0x0] =	sbarrier.arrive $0xFFFF  }
0x47: {  	_ =	strace $0x9000004A  }
0x48: {  	s0 =	sadd.s32 @!p0 $0x100000, s1;
	[bflag:$0x2] =	sbarrier.arrive $0xFFFF  }
0x49: {  	[sflag:s0] =	ssyncadd.tile.s32 @!p0 $0x1;
	_ =	shalt  }
.Lfunc_end2:
_tile_overlayer_lowered:
.L_overlay_start_2:
0x4a: {  	(tag) =	ssettag $0x2  }
0x4b: {  	s0 =	rddreg [dreg:$0x0];
	s2 =	stileid.u32  }
0x4c: {  	s1 =	rddreg [dreg:$0x1];
	p0 =	sne.s32 s2, $0x0  }
0x4d: {  	s3 =	rddreg [dreg:$0x2];
	[bflag:$0x3] =	sbarrier.arrive $0xFFFF;
	s2 =	simm.s32 @!p0 $0x1C01  }
0x4e: {  	[timem:s3], [sflag:s2] =	dma.local @!p0 [hbm:s0], s1  }
0x4f: {  	s0 =	simm.s32 @!p0 $0x1  }
0x50: {  	_ =	swait.ge @!p0 [sflag:s0], s1  }
0x51: {  	s1 =	ssub.s32 @!p0 $0x0, s1;
	[sflag:s0] =	ssyncset.done @!p0 $0x0  }
0x52: {  	[sflag:s0] =	ssyncadd.s32 @!p0 s1  }
0x53: {  	[bflag:$0x3] =	sbarrier.arrive $0xFFFF  }
0x54: {  	_ =	shalt  }

// kernel: kernel.7.cloned.1.call-start
scs
__scs_entry_jumppad:
0x0: {  	(pc) =	sbr.rel $0x88, $3  }
0x1: {  	(tag) =	ssettag $0x0;
	lr =	simm.s32 $0x1  }
0x2: {  	[smem:$0x3F9B] =	sst lr;
	_ =	strace $0xD0000000  }
0x3: {  	_ = 	snop  }
0x4: {  	_ = 	snop  }
0x5: {  	_ = 	snop  }
0x6: {  	_ = 	snop  }
0x7: {  	_ = 	snop  }
__scs_overlays_trampoline_lowered:
0x8: {  	[smem:$0x3FAA] =	sst s0  }
0x9: {  	[smem:$0x3FAB] =	sst s1  }
0xa: {  	[smem:$0x3FAC] =	sst s2  }
0xb: {  	[smem:$0x3FAD] =	sst s3  }
0xc: {  	[smem:$0x3FAE] =	sst s4  }
0xd: {  	[smem:$0x3FAF] =	sst s5  }
0xe: {  	[smem:$0x3FB0] =	sst s6  }
0xf: {  	[smem:$0x3FB1] =	sst s7  }
0x10: {  	[smem:$0x3FB2] =	sst s8  }
0x11: {  	[smem:$0x3FB3] =	sst s9;
	s0 =	simm.s32 @!p0 $0x0  }
0x12: {  	s1 =	sld [smem:$0x3F99];
	s0 =	simm.s32 @p0 $0x1  }
0x13: {  	[smem:$0x3FB4] =	sst s0;
	s0 =	simm.s32 @!p1 $0x0  }
0x14: {  	s2 =	sld [smem:$0x3F98];
	s0 =	simm.s32 @p1 $0x1  }
0x15: {  	[smem:$0x3FB5] =	sst s0;
	s0 =	simm.s32 @!p2 $0x0  }
0x16: {  	s3 =	sld [smem:$0x3FDB];
	s0 =	simm.s32 @p2 $0x1  }
0x17: {  	s4 =	simm.s32 $0x1BF5;
	[smem:$0x3FB7] =	sst s0  }
0x18: {  	s0 =	sld [smem:$0x3F9A];
	_ =	swait.ge [sflag:s4], $0x0  }
0x19: {  	s7 =	sld [smem:$0x3F9B]  }
0x1a: {  	s8 =	sadd.s32 $0xFFFFE003, lr  }
0x1b: {  	s9 =	sadd.s32 $0xFFFFFEF7, lr;
	s5 =	simm.s32 $0xFFFFFFFF;
	p2 =	slt.u32 s8, $0xFFFFF086  }
0x1c: {  	p1 =	slt.u32 s9, $0xF7A;
	s5 =	simm.s32 @!p2 $0x0  }
0x1d: {  	s5 =	simm.s32 @p1 $0x1;
	p0 =	seq.s32 s7, s2  }
0x1e: {  	s7 =	smul.u32 @!p0 $0xF7A, s2;
	p2 =	seq.s32 @!p0 s5, $0x0  }
0x1f: {  	s9 =	smul.u32 $0xF7A, s1;
	s8 =	simm.s32 @!p0 $0x1BF5;
	p2 =	por !p2, p0  }
0x20: {  	[sflag:s8] =	ssyncset.s32 @!p0 $0xFFFFF086;
	s6 =	sadd.s32 @!p0 s3, s7;
	s7 =	simm.s32 @!p0 $0x108  }
0x21: {  	s3 =	sadd.s32 s3, s9;
	s6 =	sadd.s32 @!p0 $0x88, s6;
	s7 =	simm.s32 @p2 $0x1082  }
0x22: {  	[simem:s7], [sflag:s8] =	dma.local @!p0 [hbm:s6], $0xF7A  }
0x23: {  	s9 =	sor.u32 $0xD0000000, s2;
	s6 =	simm.s32 $0x108;
	_ =	swait.ge @!p0 [sflag:s8], $0x0  }
0x24: {  	s3 =	sadd.s32 $0x88, s3;
	s6 =	simm.s32 @!p1 $0x1082;
	[sflag:s4] =	ssyncset.s32 $0xFFFFF086  }
0x25: {  	[simem:s6], [sflag:s4] =	dma.local [hbm:s3], $0xF7A  }
0x26: {  	[smem:$0x3F9B] =	sst s1;
	(tag) =	ssettag s2;
	_ =	strace s9  }
0x27: {  	s1 =	sld [smem:$0x3FAB]  }
0x28: {  	s2 =	sld [smem:$0x3FAC]  }
0x29: {  	s4 =	sld [smem:$0x3FAE]  }
0x2a: {  	p0 =	seq.s32 s5, $0x0;
	s5 =	sld [smem:$0x3FAF]  }
0x2b: {  	s6 =	sld [smem:$0x3FB0]  }
0x2c: {  	s7 =	sld [smem:$0x3FB1]  }
0x2d: {  	s3 =	simm.s32 $0x108;
	s8 =	sld [smem:$0x3FB2]  }
0x2e: {  	s3 =	simm.s32 @!p0 $0x1082;
	s9 =	sld [smem:$0x3FB3]  }
0x2f: {  	lr =	sadd.s32 s0, s3;
	s0 =	sld [smem:$0x3FAA]  }
0x30: {  	s3 =	sld [smem:$0x3FAD]  }
0x31: {  	[smem:$0x3FB6] =	sst s10  }
0x32: {  	s10 =	sld [smem:$0x3FB4];
	_ =	sdelay $0x3  }
0x33: {  	p0 =	seq.s32 s10, $0x1;
	s10 =	sld [smem:$0x3FB6];
	_ =	sdelay $0x3  }
0x34: {  	[smem:$0x3FB6] =	sst s10  }
0x35: {  	s10 =	sld [smem:$0x3FB5];
	_ =	sdelay $0x3  }
0x36: {  	p1 =	seq.s32 s10, $0x1;
	s10 =	sld [smem:$0x3FB6];
	_ =	sdelay $0x3  }
0x37: {  	[smem:$0x3FB6] =	sst s10  }
0x38: {  	s10 =	sld [smem:$0x3FB7]  }
0x39: {  	_ = 	snop;
	(pc) =	sbr.ind lr, $3  }
0x3a: {  	_ = 	snop  }
0x3b: {  	_ = 	snop  }
0x3c: {  	p2 =	seq.s32 s10, $0x1;
	s10 =	sld [smem:$0x3FB6]  }
0x3d: {  	_ =	shalt  }
0x3e: {  	_ =	shalt  }
0x3f: {  	_ =	shalt  }
0x40: {  	_ =	shalt  }
0x41: {  	_ =	shalt  }
0x42: {  	_ =	shalt  }
0x43: {  	_ =	shalt  }
0x44: {  	_ =	shalt  }
0x45: {  	_ =	shalt  }
0x46: {  	_ =	shalt  }
0x47: {  	_ =	shalt  }
0x48: {  	_ =	shalt  }
0x49: {  	_ =	shalt  }
0x4a: {  	_ =	shalt  }
0x4b: {  	_ =	shalt  }
0x4c: {  	_ =	shalt  }
0x4d: {  	_ =	shalt  }
0x4e: {  	_ =	shalt  }
0x4f: {  	_ =	shalt  }
0x50: {  	_ =	shalt  }
0x51: {  	_ =	shalt  }
0x52: {  	_ =	shalt  }
0x53: {  	_ =	shalt  }
0x54: {  	_ =	shalt  }
0x55: {  	_ =	shalt  }
0x56: {  	_ =	shalt  }
0x57: {  	_ =	shalt  }
0x58: {  	_ =	shalt  }
0x59: {  	_ =	shalt  }
0x5a: {  	_ =	shalt  }
0x5b: {  	_ =	shalt  }
0x5c: {  	_ =	shalt  }
0x5d: {  	_ =	shalt  }
0x5e: {  	_ =	shalt  }
0x5f: {  	_ =	shalt  }
0x60: {  	_ =	shalt  }
0x61: {  	_ =	shalt  }
0x62: {  	_ =	shalt  }
0x63: {  	_ =	shalt  }
0x64: {  	_ =	shalt  }
0x65: {  	_ =	shalt  }
0x66: {  	_ =	shalt  }
0x67: {  	_ =	shalt  }
0x68: {  	_ =	shalt  }
0x69: {  	_ =	shalt  }
0x6a: {  	_ =	shalt  }
0x6b: {  	_ =	shalt  }
0x6c: {  	_ =	shalt  }
0x6d: {  	_ =	shalt  }
0x6e: {  	_ =	shalt  }
0x6f: {  	_ =	shalt  }
0x70: {  	_ =	shalt  }
0x71: {  	_ =	shalt  }
0x72: {  	_ =	shalt  }
0x73: {  	_ =	shalt  }
0x74: {  	_ =	shalt  }
0x75: {  	_ =	shalt  }
0x76: {  	_ =	shalt  }
0x77: {  	_ =	shalt  }
0x78: {  	_ =	shalt  }
0x79: {  	_ =	shalt  }
0x7a: {  	_ =	shalt  }
0x7b: {  	_ =	shalt  }
0x7c: {  	_ =	shalt  }
0x7d: {  	_ =	shalt  }
0x7e: {  	_ =	shalt  }
0x7f: {  	_ =	shalt  }
0x80: {  	_ =	shalt  }
0x81: {  	_ =	shalt  }
0x82: {  	_ =	shalt  }
0x83: {  	_ =	shalt  }
0x84: {  	_ =	shalt  }
0x85: {  	_ =	shalt  }
0x86: {  	_ =	shalt  }
0x87: {  	_ =	shalt  }
.Lfunc_end0:
.L_simem_size_0:
called_computation_lowered:
.L_overlay_start_0:
0x88: {  	s2 =	sld [smem:$0x3FD9]  }
0x89: {  	s3 =	sld [smem:$0x3FFE];
	_ =	sdelay $0x1  }
0x8a: {  	s1 =	srdreg.scid  }
0x8b: {  	s0 =	sand.u32 $0x1, s1  }
0x8c: {  	s17 =	sshll.u32 s0, $0xA;
	s2 =	sadd.s32 s3, s2  }
0x8d: {  	s2 =	sadd.s32 s2, s17  }
0x8e: {  	[smem:$0x3FC2] =	sst s2  }
0x8f: {  	_ = 	snop  }
0x90: {  	s2 =	sld [smem:$0x3FD0];
	(tm) =	ssettm $0x1  }
0x91: {  	s18 =	sld [smem:$0x3FFB];
	_ =	sdelay $0x3  }
0x92: {  	_ =	strace s18  }
0x93: {  	s3 =	sld [smem:$0x3FFC];
	_ =	sdelay $0x3  }
0x94: {  	_ =	strace s3  }
0x95: {  	s3 =	sld [smem:$0x3FFD];
	_ =	sdelay $0x3  }
0x96: {  	_ =	strace s3  }
0x97: {  	_ =	strace $0x8FFFFFFF  }
0x98: {  	s19 =	sld [smem:$0x3FDB];
	_ =	sdelay $0x1  }
0x99: {  	s4 =	simm.s32 $_scs_section_size  }
0x9a: {  	s5 =	simm.s32 $_size__tile_overlayer_lowered;
	s6 =	simm.s32 $_tile_overlayer_lowered  }
0x9b: {  	s22 =	simm.s32 $0x1BFF;
	s21 =	sshll.u32 s6, $0x1;
	s3 =	sadd.s32 s4, s19  }
0x9c: {  	s7 =	simm.s32 $0x0;
	s20 =	sshll.u32 s5, $0x1;
	s5 =	sadd.s32 s21, s3  }
0x9d: {  	[timem:s7], [sflag:s22] =	dma.local [hbm:s5], s20  }
0x9e: {  	_ =	swait.ge [sflag:s22], s20  }
0x9f: {  	s4 =	ssub.s32 $0x0, s20;
	[sflag:s22] =	ssyncset.done $0x0  }
0xa0: {  	[sflag:s22] =	ssyncadd.s32 s4;
	_ =	sdelay $0x1  }
0xa1: {  	s23 =	simm.s32 $0x1B8B  }
0xa2: {  	_ =	swait.ge [sflag:s23], $0x1  }
0xa3: {  	[sflag:s23] =	ssyncset.done $0x0  }
0xa4: {  	s25 =	simm.s32 $0x1B8E;
	s24 =	sld [smem:$0x3FFE];
	[sflag:s23] =	ssyncadd.s32 $0xFFFFFFFF  }
0xa5: {  	s26 =	simm.s32 $execute0_lowered;
	[smem:$0x3FD2] =	sst s25  }
0xa6: {  	s5 =	sshll.u32 s26, $0x1;
	_ =	strace $0x80000046;
	[dreg:$0x1] =	wrdreg $0xFFFFFFFF  }
0xa7: {  	s28 =	simm.s32 $_size_execute0_lowered;
	s3 =	sadd.s32 s3, s5;
	[dreg:$0x0] =	wrdreg $0x0  }
0xa8: {  	s5 =	sshll.u32 s28, $0x1;
	[dreg:$0x2] =	wrdreg s3  }
0xa9: {  	[dreg:$0x3] =	wrdreg s5  }
0xaa: {  	[dreg:$0x4] =	wrdreg $0xC0  }
0xab: {  	_ =	task [dreg:s7], $0x5FFFF  }
0xac: {  	[dreg:$0x1] =	wrdreg $0xFFFFFFFF  }
0xad: {  	[dreg:$0x0] =	wrdreg $0x60  }
0xae: {  	[dreg:$0x2] =	wrdreg s2  }
0xaf: {  	[dreg:$0x3] =	wrdreg s24  }
0xb0: {  	[dreg:$0x4] =	wrdreg $0x90000  }
0xb1: {  	[dreg:$0x5] =	wrdreg $0x9  }
0xb2: {  	_ =	task.clear_ibuf [dreg:s7], $0x6FFFF;
	_ =	strace $0x90000046  }
0xb3: {  	s29 =	simm.s32 $0x9;
	_ =	strace $0x80000048  }
0xb4: {  	_ =	swait.ge [sflag:s29], $0x1  }
0xb5: {  	[sflag:s29] =	ssyncadd.s32 $0xFFFFFFFF  }
0xb6: {  	_ =	strace $0x90000048  }
0xb7: {  	_ =	sfence  }
0xb8: {  	s30 =	sld [smem:$0x0];
	_ =	sdelay $0x2  }
0xb9: {  	s31 =	sshll.u32 s1, $0xD;
	s1 =	sshrl.u32 s1, $0x2  }
0xba: {  	s3 =	sand.u32 $0x4000, s31;
	s1 =	sadd.s32 s1, s30  }
0xbb: {  	s0 =	sor.u32 s3, s0;
	s1 =	sshll.u32 s1, $0x11  }
0xbc: {  	s0 =	sor.u32 s1, s0  }
0xbd: {  	s0 =	sadd.s32 $0x8F2B, s0  }
0xbe: {  	[sflag:s0] =	ssyncadd.remote.s32 $0x1  }
0xbf: {  	_ =	sfence.sel $0xFFFF  }
0xc0: {  	[dreg:$0x0] =	wrdreg $0xFFFFFFFF;
	(pc) =	sbr.abs _section_cstart, $3  }
0xc1: {  	[dreg:$0x1] =	wrdreg $0xFFFFFFFF  }
0xc2: {  	_ =	task.clear_ibuf [dreg:s7], $0x2FFFF;
	_ =	strace $0x9FFFFFFF  }
0xc3: {  	(tm) =	ssettm $0x7FFFFFFF  }
tec
execute0_lowered:
.L_overlay_start_1:
0x0: {  	(tag) =	ssettag $0x1  }
0x1: {  	s0 =	srdreg.scid  }
0x2: {  	s17 =	stileid.u32;
	s7 =	rddreg [dreg:$0x1]  }
0x3: {  	s2 =	rddreg [dreg:$0x2];
	s3 =	simm.s32 $0x0;
	s20 =	simm.s32 $0x80  }
0x4: {  	s21 =	simm.s32 $0x2800;
	s22 =	simm.s32 $0x0;
	s8 =	smul.u32 $0x500, s17  }
0x5: {  	s5 =	sand.u32 $0x1, s0;
	s0 =	rddreg [dreg:$0x0];
	s9 =	smul.u32 $0x2700, s17  }
0x6: {  	[smem:$0x7FF] =	sst s3;
	s25 =	smul.u32 $0x270, s17;
	s13 =	sadd.s32 $0x3DE00, s7  }
0x7: {  	s12 =	smul.u32 $0x4E000, s17;
	s14 =	sadd.s32 $0x8C000, s7;
	p0 =	sne.s32 s17, $0x0  }
0x8: {  	s1 =	sshll.u32 s5, $0x4;
	s15 =	ssub.s32 $0x2, s5;
	s16 =	smul.u32 $0x2710, s5  }
0x9: {  	s19 =	smul.u32 $0x138800, s5;
	s4 =	sor.u32 s17, s1;
	s1 =	rddreg [dreg:$0x3]  }
0xa: {  	_ =	strace $0x80000047;
	s11 =	sadd.s32 s8, s7;
	s24 =	sadd.s32 s9, s7  }
0xb: {  	s18 =	sshrl.u32 s15, $0x1;
	s12 =	sshrl.u32 s12, $0x2;
	s6 =	smul.u32 $0x500, s4  }
0xc: {  	s17 =	sshll.u32 s17, $0x6;
	s4 =	smul.u32 $0x280, s4;
	s15 =	ssub.s32 s15, s18  }
0xd: {  	s26 =	sadd.s32 s12, s2;
	s28 =	sadd.s32 s25, s16;
	s29 =	sshrl.u32 s19, $0x3  }
0xe: {  	s19 =	sadd.s32 $0x138000, s2;
	s11 =	sadd.s32 $0x2400, s11;
	s16 =	simm.s32 $0x5000  }
0xf: {  	s17 =	sor.u32 $0x1C01, s17;
	s30 =	sshll.u32 s28, $0x4;
	s31 =	sadd.s32 $0x27000, s29  }
0x10: {  	s18 =	sshrl.u32 s26, $0x3;
	s19 =	sshrl.u32 @!p0 s19, $0x3;
	s10 =	sadd.s32 s6, s7  }
0x11: {  	s23 =	sadd.s32 s4, s7;
	s4 =	sadd.s32 $0x16400, s7;
	s6 =	sadd.s32 $0x16C00, s24  }
0x12: {  	s7 =	sadd.s32 $0x3DC00, s7;
	s8 =	sadd.s32 s14, s30;
	s9 =	sadd.s32 s14, s31  }
0x13: {  	s12 =	sadd.s32 s13, s30;
	s13 =	sadd.s32 s13, s31;
	s14 =	smax.u32 s15, $0x1  }
0x14: {  	s15 =	simm.s32 $0x1;
	s5 =	sadd.s32 $0x7400, s23;
	s10 =	sadd.s32 $0xC400, s10  }
.LBB2_1:
0x15: {  	[tilespmem:s3], [sflag:$0x1] =	stream.linear.gather [hbm4b:s5+s3], $0x1400, $0x38;
	[tilespmem:$0x1C8C0] =	vst v63  }
0x16: {  	_ =	swait.ge [sflag:s15], $0x1400  }
0x17: {  	[sflag:s15] =	ssyncset.done $0x0  }
0x18: {  	[sflag:s15] =	ssyncadd.s32 $0xFFFFEC00  }
0x19: {  	[tilespmem:s16], [sflag:$0x1] =	stream.linear.gather [hbm4b:s4+s3], $0x4000, $0x38;
	[tilespmem:$0x1C8C0] =	vst v63  }
0x1a: {  	_ =	swait.ge [sflag:s15], $0x4000  }
0x1b: {  	[sflag:s15] =	ssyncset.done $0x0  }
0x1c: {  	[sflag:s15] =	ssyncadd.s32 $0xFFFFC000  }
0x1d: {  	[spmem:s18], [sflag:s17] =	dma.local [hbm:s6], $0x2700  }
0x1e: {  	_ =	swait.ge [sflag:s15], $0x2700  }
0x1f: {  	[sflag:s15] =	ssyncset.done $0x0  }
0x20: {  	s23 =	simm.s32 @!p0 $0x1;
	[sflag:s15] =	ssyncadd.s32 $0xFFFFD900  }
0x21: {  	[spmem:s19], [sflag:s17] =	dma.local @!p0 [hbm:s7], $0x180  }
0x22: {  	_ =	swait.ge @!p0 [sflag:s23], $0x180  }
0x23: {  	[sflag:s23] =	ssyncset.done @!p0 $0x0  }
0x24: {  	[sflag:s23] =	ssyncadd.s32 @!p0 $0xFFFFFE80  }
0x25: {  	s31 =	simm.s32 $0x0;
	[bflag:$0x0] =	sbarrier.arrive $0xFFFF  }
0x26: {  	[spmem:s2] =	stream.indirect.scatter.add.f32 [tilespmem:s16], [sflag:$0x1], $0x80, s31, s20, $0xb8;
	[tilespmem:$0x1C8C0] =	vst v63  }
0x27: {  	_ =	swait.ge [sflag:s15], $0x4000  }
0x28: {  	s23 =	simm.s32 $0x200;
	[sflag:s15] =	ssyncset.done $0x0  }
.LBB2_2:
0x29: {  	s24 =	sshra.s32 s23, $0x2;
	[sflag:s15] =	ssyncadd.s32 $0xFFFFC000;
	p1 =	sne.s32 s23, $0x4E00  }
0x2a: {  	[spmem:s2] =	stream.indirect.scatter.add.f32 [tilespmem:s16], [sflag:$0x1], $0x80, s24, s20, $0xb8;
	[tilespmem:$0x1C8C0] =	vst v63  }
.Ltmp0:
0x2b: {  	_ = 	snop;
	(pc) =	sbr.rel @p1 .LBB2_2-.Ltmp0, $4  }
0x2c: {  	_ = 	snop  }
0x2d: {  	s23 =	sadd.s32 $0x200, s23  }
0x2e: {  	_ =	swait.ge [sflag:s15], $0x4000  }
0x2f: {  	[sflag:s15] =	ssyncset.done $0x0  }
0x30: {  	[sflag:s15] =	ssyncadd.s32 $0xFFFFC000  }
0x31: {  	[bflag:$0x0] =	sbarrier.arrive $0xFFFF  }
0x32: {  	[hbm:s8], [sflag:s17] =	dma.local [spmem:s18], $0x2700  }
0x33: {  	_ =	swait.ge [sflag:s15], $0x2700  }
0x34: {  	[sflag:s15] =	ssyncset.done $0x0  }
0x35: {  	s23 =	simm.s32 @!p0 $0x1;
	[sflag:s15] =	ssyncadd.s32 $0xFFFFD900  }
0x36: {  	[hbm:s9], [sflag:s17] =	dma.local @!p0 [spmem:s19], $0x100  }
0x37: {  	_ =	swait.ge @!p0 [sflag:s23], $0x100  }
0x38: {  	[sflag:s23] =	ssyncset.done @!p0 $0x0  }
0x39: {  	[sflag:s23] =	ssyncadd.s32 @!p0 $0xFFFFFF00  }
0x3a: {  	s29 =	simm.s32 $0x0;
	[bflag:$0x0] =	sbarrier.arrive $0xFFFF  }
0x3b: {  	[tilespmem:s29], [sflag:$0x1] =	stream.linear.gather [hbm4b:s10+s29], $0x2800, $0x38;
	[tilespmem:$0x1C8C0] =	vst v63  }
0x3c: {  	_ =	swait.ge [sflag:s15], $0x2800  }
0x3d: {  	[sflag:s15] =	ssyncset.done $0x0  }
0x3e: {  	[sflag:s15] =	ssyncadd.s32 $0xFFFFD800  }
0x3f: {  	[tilespmem:s21], [sflag:$0x1] =	stream.linear.gather [hbm4b:s11+s29], $0x2800, $0x38;
	[tilespmem:$0x1C8C0] =	vst v63  }
0x40: {  	_ =	swait.ge [sflag:s15], $0x2800  }
0x41: {  	[sflag:s15] =	ssyncset.done $0x0  }
0x42: {  	s30 =	simm.s32 $0x0;
	[sflag:s15] =	ssyncadd.s32 $0xFFFFD800  }
0x43: {  	[tilespmem:s16], [sflag:$0x1] =	stream.indirect.gather [hbm4b:s0+s20], $0x80, s30, s20, $0xb8;
	[tilespmem:$0x1C8C0] =	vst v63  }
0x44: {  	_ =	swait.ge [sflag:s15], $0x4000  }
0x45: {  	[sflag:s15] =	ssyncset.done $0x0  }
0x46: {  	s31 =	simm.s32 $0x2800;
	[sflag:s15] =	ssyncadd.s32 $0xFFFFC000  }
0x47: {  	[spmem:s2] =	stream.indirect.scatter.add.f32 [tilespmem:s16], [sflag:$0x1], $0x80, s31, s20, $0xb8;
	[tilespmem:$0x1C8C0] =	vst v63  }
0x48: {  	_ =	swait.ge [sflag:s15], $0x4000  }
0x49: {  	s24 =	simm.s32 $0x400;
	s23 =	simm.s32 $0x200;
	[sflag:s15] =	ssyncset.done $0x0  }
.LBB2_4:
0x4a: {  	s25 =	sshra.s32 s23, $0x2  }
0x4b: {  	[sflag:s15] =	ssyncadd.s32 $0xFFFFC000;
	s23 =	smov.u32 s24;
	s26 =	sadd.s32 $0x200, s24  }
0x4c: {  	[tilespmem:s16], [sflag:$0x1] =	stream.indirect.gather [hbm4b:s0+s20], $0x80, s25, s20, $0xb8;
	[tilespmem:$0x1C8C0] =	vst v63  }
0x4d: {  	p1 =	sne.s32 s24, $0x9E00;
	_ =	swait.ge [sflag:s15], $0x4000  }
.Ltmp1:
0x4e: {  	[sflag:s15] =	ssyncset.done $0x0;
	(pc) =	sbr.rel @p1 .LBB2_4-.Ltmp1, $4  }
0x4f: {  	s24 =	sadd.s32 $0x2800, s25;
	[sflag:s15] =	ssyncadd.s32 $0xFFFFC000  }
0x50: {  	[spmem:s2] =	stream.indirect.scatter.add.f32 [tilespmem:s16], [sflag:$0x1], $0x80, s24, s20, $0xb8;
	[tilespmem:$0x1C8C0] =	vst v63  }
0x51: {  	_ =	swait.ge [sflag:s15], $0x4000  }
0x52: {  	s24 =	smov.u32 s26;
	[sflag:s15] =	ssyncset.done $0x0  }
0x53: {  	s23 =	sshra.s32 s23, $0x2;
	[sflag:s15] =	ssyncadd.s32 $0xFFFFC000  }
0x54: {  	[tilespmem:s16], [sflag:$0x1] =	stream.indirect.gather [hbm4b:s0+s20], $0x80, s23, s20, $0xb8;
	[tilespmem:$0x1C8C0] =	vst v63  }
0x55: {  	_ =	swait.ge [sflag:s15], $0x4000  }
0x56: {  	[sflag:s15] =	ssyncset.done $0x0  }
0x57: {  	s23 =	sadd.s32 $0x2800, s23;
	[sflag:s15] =	ssyncadd.s32 $0xFFFFC000  }
0x58: {  	[spmem:s2] =	stream.indirect.scatter.add.f32 [tilespmem:s16], [sflag:$0x1], $0x80, s23, s20, $0xb8;
	[tilespmem:$0x1C8C0] =	vst v63  }
0x59: {  	_ =	swait.ge [sflag:s15], $0x4000  }
0x5a: {  	[sflag:s15] =	ssyncset.done $0x0  }
0x5b: {  	[sflag:s15] =	ssyncadd.s32 $0xFFFFC000  }
0x5c: {  	[bflag:$0x0] =	sbarrier.arrive $0xFFFF  }
0x5d: {  	[hbm:s12], [sflag:s17] =	dma.local [spmem:s18], $0x2700  }
0x5e: {  	s22 =	sadd.s32 $0x1, s22;
	_ =	swait.ge [sflag:s15], $0x2700  }
0x5f: {  	p1 =	sne.s32 s22, s14;
	[sflag:s15] =	ssyncset.done $0x0  }
.Ltmp2:
0x60: {  	s23 =	simm.s32 @!p0 $0x1;
	[sflag:s15] =	ssyncadd.s32 $0xFFFFD900;
	(pc) =	sbr.rel @p1 .LBB2_1-.Ltmp2, $4  }
0x61: {  	[hbm:s13], [sflag:s17] =	dma.local @!p0 [spmem:s19], $0x100  }
0x62: {  	_ =	swait.ge @!p0 [sflag:s23], $0x100  }
0x63: {  	[sflag:s23] =	ssyncset.done @!p0 $0x0  }
0x64: {  	[sflag:s23] =	ssyncadd.s32 @!p0 $0xFFFFFF00  }
0x65: {  	_ =	sfence.sel $0x180000  }
0x66: {  	[bflag:$0x0] =	sbarrier.arrive $0xFFFF  }
0x67: {  	_ =	strace $0x90000047  }
0x68: {  	s0 =	sadd.s32 @!p0 $0x100000, s1;
	[bflag:$0x2] =	sbarrier.arrive $0xFFFF  }
0x69: {  	[sflag:s0] =	ssyncadd.tile.s32 @!p0 $0x1;
	_ =	shalt  }
.Lfunc_end2:
_tile_overlayer_lowered:
.L_overlay_start_2:
0x6a: {  	(tag) =	ssettag $0x2  }
0x6b: {  	s0 =	rddreg [dreg:$0x0];
	s2 =	stileid.u32  }
0x6c: {  	s1 =	rddreg [dreg:$0x1];
	p0 =	sne.s32 s2, $0x0  }
0x6d: {  	s3 =	rddreg [dreg:$0x2];
	[bflag:$0x3] =	sbarrier.arrive $0xFFFF;
	s2 =	simm.s32 @!p0 $0x1C01  }
0x6e: {  	[timem:s3], [sflag:s2] =	dma.local @!p0 [hbm:s0], s1  }
0x6f: {  	s0 =	simm.s32 @!p0 $0x1  }
0x70: {  	_ =	swait.ge @!p0 [sflag:s0], s1  }
0x71: {  	s1 =	ssub.s32 @!p0 $0x0, s1;
	[sflag:s0] =	ssyncset.done @!p0 $0x0  }
0x72: {  	[sflag:s0] =	ssyncadd.s32 @!p0 s1  }
0x73: {  	[bflag:$0x3] =	sbarrier.arrive $0xFFFF  }
0x74: {  	_ =	shalt  }

</sc_bundles>
